<compile_context>
chip_gen: v7x
topology: tpu7x:2x2x1
jax: 0.10.2.dev20260603
libtpu: 0.0.44.dev20260713+nightly
codegen_flags: <defaults>
</compile_context>

<pallas_src>
import functools

import jax
import jax.numpy as jnp
from jax import lax
from jax.experimental import pallas as pl
from jax.experimental.pallas import tpu as pltpu

try:
    from jax.experimental.pallas import tpu_sc as plsc
except ImportError:
    plsc = None

_IDX_W = 125
_GRP = 8
_GRID = 50
_EPS = 1e-5


def _sc_worker_count():
    try:
        info = plsc.get_sparse_core_info()
        return info.num_cores, info.num_subcores
    except Exception:
        return 2, 16


def _sc_gather(table, idx2d):
    nc, ns = _sc_worker_count()
    nw = nc * ns
    rows, idx_w = idx2d.shape
    per_w = rows // nw
    ngrp = per_w // _GRP
    mesh = plsc.VectorSubcoreMesh(core_axis_name="c", subcore_axis_name="s")

    @functools.partial(
        pl.kernel,
        mesh=mesh,
        out_type=jax.ShapeDtypeStruct((rows, idx_w, 16), jnp.float32),
        scratch_types=[
            pltpu.VMEM((_GRP, idx_w), jnp.int32),
            pltpu.VMEM((_GRP, idx_w, 16), jnp.float32),
            pltpu.SemaphoreType.DMA,
        ],
        compiler_params=pltpu.CompilerParams(use_tc_tiling_on_sc=False),
    )
    def k(table_hbm, idx_hbm, out_hbm, idx_v, rows_v, sem):
        wid = lax.axis_index("s") * nc + lax.axis_index("c")
        base = wid * per_w

        def body(g, carry):
            lo = base + g * _GRP
            pltpu.sync_copy(idx_hbm.at[pl.ds(lo, _GRP)], idx_v)
            copies = [
                pltpu.async_copy(table_hbm.at[idx_v.at[j]], rows_v.at[j], sem)
                for j in range(_GRP)
            ]
            for cp in copies:
                cp.wait()
            pltpu.sync_copy(rows_v, out_hbm.at[pl.ds(lo, _GRP)])
            return carry

        lax.fori_loop(0, ngrp, body, None)

    return k(table, idx2d)


def _ln(h, g, b):
    m = jnp.mean(h, axis=-1, keepdims=True)
    d = h - m
    v = jnp.mean(d * d, axis=-1, keepdims=True)
    return d * lax.rsqrt(v + _EPS) * g + b


def _tc_main(g3, a2, m2, w1p, w2g, we1g, bh2, we2r):
    p_, e_, _ = g3.shape
    kr = a2.shape[0]
    h_ = w1p.shape[1]
    eb = e_ // _GRID
    kb = kr // _GRID
    inv_p = 1.0 / p_

    def body(g_ref, a_ref, m_ref, w1_ref, w2_ref,
             we1_ref, bh_ref, we2_ref, k_ref, u_ref):
        i = pl.program_id(0)
        ab = a_ref[...]
        kp = 0.5 * jnp.sum(ab * ab * m_ref[...], keepdims=True)

        bf = jnp.bfloat16
        f32 = jnp.float32
        w1 = w1_ref[...].astype(bf)
        ys = [jnp.dot(g_ref[p].astype(bf), w1, preferred_element_type=f32)
              for p in range(p_)]
        gsum = g_ref[0]
        for p in range(1, p_):
            gsum = gsum + g_ref[p]
        mub = jnp.dot(gsum.astype(bf), w1, preferred_element_type=f32) * inv_p

        w2v = w2_ref[...].astype(bf)
        el = None
        for p in range(p_):
            h = ys[p] - mub
            v = jnp.mean(h * h, axis=-1, keepdims=True)
            r = jnp.maximum(h, 0.0)
            y = jnp.dot(r.astype(bf), w2v, preferred_element_type=f32)
            my = jnp.mean(y * y, axis=-1, keepdims=True)
            dh = y * lax.rsqrt(my + _EPS * (v + _EPS))
            el = dh if el is None else el + dh
        el = el * inv_p

        h2 = jnp.dot(el.astype(bf), we1_ref[...].astype(bf),
                     preferred_element_type=f32)
        h2 = jnp.maximum(h2 + bh_ref[...], 0.0)
        ie = jnp.sum(h2 * we2_ref[...], axis=1, keepdims=True)
        sp = jnp.maximum(ie, 0.0) + jnp.log(1.0 + jnp.exp(-jnp.abs(ie)))
        up = jnp.sum(sp, keepdims=True)

        @pl.when(i == 0)
        def _():
            k_ref[...] = kp
            u_ref[...] = up

        @pl.when(i != 0)
        def _():
            k_ref[...] += kp
            u_ref[...] += up

    full = lambda i: (0, 0)
    out = pl.pallas_call(
        body,
        grid=(_GRID,),
        in_specs=[
            pl.BlockSpec((p_, eb, 16), lambda i: (0, i, 0)),
            pl.BlockSpec((kb, 128), lambda i: (i, 0)),
            pl.BlockSpec((kb, 128), lambda i: (i, 0)),
            pl.BlockSpec((16, h_), full),
            pl.BlockSpec((h_, h_), full),
            pl.BlockSpec((h_, h_), full),
            pl.BlockSpec((1, h_), full),
            pl.BlockSpec((1, h_), full),
        ],
        out_specs=[
            pl.BlockSpec((1, 1), full),
            pl.BlockSpec((1, 1), full),
        ],
        out_shape=[
            jax.ShapeDtypeStruct((1, 1), jnp.float32),
            jax.ShapeDtypeStruct((1, 1), jnp.float32),
        ],
        compiler_params=pltpu.CompilerParams(
            dimension_semantics=("arbitrary",)),
    )(g3, a2, m2, w1p, w2g, we1g, bh2, we2r)
    return out


def kernel(x, x_initial, node_mass, element_node_ids, element_node_mask,
           element_material_ids, W1, b1, ln1_g, ln1_b, W2, b2, ln2_g, ln2_b,
           emb, We1, be1, We2, be2):
    n_, f_ = x.shape
    e_, p_ = element_node_ids.shape
    ns = f_ // 12
    h_ = W1.shape[1]

    v = x[:, 6 * ns + ns - 1:9 * ns:ns]
    u = x[:, 9 * ns + ns - 1::ns]

    tbl = jnp.concatenate(
        [u, x_initial, jnp.zeros((n_, 10), jnp.float32)], axis=1)
    idx = element_node_ids.T.reshape(-1)
    idx2 = idx.reshape(-1, _IDX_W)
    g = _sc_gather(tbl, idx2)
    g3 = g.reshape(p_, e_, 16)

    kr = 1200
    pad = kr * 128 - 3 * n_
    a2 = jnp.concatenate([v.T.reshape(-1),
                          jnp.zeros((pad,), jnp.float32)]).reshape(kr, 128)
    m2 = jnp.concatenate([jnp.tile(node_mass, 3),
                          jnp.zeros((pad,), jnp.float32)]).reshape(kr, 128)

    w1p = jnp.concatenate([W1, jnp.zeros((16 - W1.shape[0], h_), jnp.float32)],
                          axis=0)
    mat = emb[element_material_ids[0].astype(jnp.int32) - 1]
    w1p = w1p - jnp.mean(w1p, axis=1, keepdims=True)
    w2g = W2 - jnp.mean(W2, axis=1, keepdims=True)
    we1g = We1[:h_, :]
    bh2 = (mat @ We1[h_:, :]).reshape(1, h_)

    k2, u2 = _tc_main(g3, a2, m2, w1p, w2g, we1g, bh2,
                      We2[:, 0].reshape(1, h_))
    return (k2[0, 0], u2[0, 0])

# --- scband reference (transcript-rebuilt; emitter-appended) ---
"""Pipeline reference for scband-physics-net-85487029060214 (READ-ONLY COPY).

The authoritative reference and input builder live on the scoring server;
editing this copy changes nothing except your own understanding.
"""

import jax, jax.numpy as jnp
import numpy as np

N = 50000
E = 100000
P = 8
NS = 5
H = 128
MD = 2

def _layernorm(h, g, b, eps=1e-5):
    m = h.mean(axis=-1, keepdims=True)
    v = ((h - m) ** 2).mean(axis=-1, keepdims=True)
    return (h - m) / jnp.sqrt(v + eps) * g + b

def setup_inputs(seed: int = 0) -> dict:
    key = jax.random.key(seed)
    ks = jax.random.split(key, 16)
    inp = {}
    inp['x'] = jax.random.normal(ks[0], (N, 12 * NS), jnp.float32)
    inp['x_initial'] = jax.random.normal(ks[1], (N, 3), jnp.float32)
    inp['node_mass'] = jax.random.uniform(ks[2], (N,), jnp.float32)
    inp['element_node_ids'] = jax.random.randint(ks[3], (E, P), 0, N, dtype=jnp.int32)
    inp['element_node_mask'] = jnp.ones((E, P), jnp.float32)
    inp['element_material_ids'] = jnp.ones((E,), jnp.int32)
    s1 = 1.0 / np.sqrt(6.0)
    s2 = 1.0 / np.sqrt(float(H))
    s3 = 1.0 / np.sqrt(float(H + MD))
    inp['W1'] = jax.random.normal(ks[4], (6, H), jnp.float32) * s1
    inp['b1'] = jnp.zeros((H,), jnp.float32)
    inp['ln1_g'] = jnp.ones((H,), jnp.float32)
    inp['ln1_b'] = jnp.zeros((H,), jnp.float32)
    inp['W2'] = jax.random.normal(ks[5], (H, H), jnp.float32) * s2
    inp['b2'] = jnp.zeros((H,), jnp.float32)
    inp['ln2_g'] = jnp.ones((H,), jnp.float32)
    inp['ln2_b'] = jnp.zeros((H,), jnp.float32)
    inp['emb'] = jax.random.normal(ks[6], (2, MD), jnp.float32)
    inp['We1'] = jax.random.normal(ks[7], (H + MD, H), jnp.float32) * s3
    inp['be1'] = jnp.zeros((H,), jnp.float32)
    inp['We2'] = jax.random.normal(ks[8], (H, 1), jnp.float32) * s2
    inp['be2'] = jnp.zeros((1,), jnp.float32)
    return inp

def reference(x, x_initial, node_mass, element_node_ids, element_node_mask, element_material_ids, W1, b1, ln1_g, ln1_b, W2, b2, ln2_g, ln2_b, emb, We1, be1, We2, be2):
    # reshape time-series features [N, 12*NS] -> [N, 12, NS], take last step
    node_feat = x.reshape(x.shape[0], 12, -1)[:, :, -1]
    v = node_feat[:, 6:9]
    u = node_feat[:, 9:12]
    # global kinetic energy
    K = jnp.sum(0.5 * node_mass * jnp.sum(v * v, axis=1))
    # global internal energy (fast path)
    safe = jnp.clip(element_node_ids, 0, None)
    u_e = u[safe]
    x0_e = x_initial[safe]
    mask = element_node_mask[:, :, None]
    u_e = u_e * mask
    x0_e = x0_e * mask
    counts = jnp.clip(element_node_mask.sum(axis=1, keepdims=True), 1.0, None)[:, :, None]
    u_mean = u_e.sum(axis=1, keepdims=True) / counts
    x0_mean = x0_e.sum(axis=1, keepdims=True) / counts
    feats = jnp.concatenate([u_e - u_mean, x0_e - x0_mean], axis=2)
    h = feats.reshape(-1, 6) @ W1 + b1
    h = jax.nn.relu(_layernorm(h, ln1_g, ln1_b))
    h = h @ W2 + b2
    h = _layernorm(h, ln2_g, ln2_b)
    el = h.reshape(feats.shape[0], feats.shape[1], -1)
    el = el * mask
    el = el.sum(axis=1) / counts[:, :, 0]
    mat_feat = emb[element_material_ids.astype(jnp.int32) - 1]
    ef = jnp.concatenate([el, mat_feat], axis=1)
    h2 = jax.nn.relu(ef @ We1 + be1)
    ie = (h2 @ We2 + be2)[:, 0]
    U = jnp.sum(jax.nn.softplus(ie))
    return (K, U)

if __name__ == "__main__":
    import jax
    _d = setup_inputs()
    print(jax.jit(kernel)(*tuple(_d.values())))

</pallas_src>

<mosaic_0001>
#map = affine_map<(d0, d1) -> (0, 0)>
#map1 = affine_map<(d0, d1) -> (0, 0, 0)>
module attributes {stable_mosaic.version = 14 : i64} {
  func.func @k(%arg0: i32, %arg1: i32, %arg2: memref<50000x16xf32, #tpu.memory_space<hbm>>, %arg3: memref<6400x125xi32, #tpu.memory_space<hbm>>, %arg4: memref<6400x125x16xf32, #tpu.memory_space<hbm>>, %arg5: memref<8x125xi32, #tpu.memory_space<vmem>>, %arg6: memref<8x125x16xf32, #tpu.memory_space<vmem>>, %arg7: memref<!tpu.dma_semaphore, #tpu.memory_space<semaphore_mem>>) attributes {dimension_semantics = [#tpu.dimension_semantics<core_parallel>, #tpu.dimension_semantics<subcore_parallel>], iteration_bounds = array<i64: 2, 16>, scalar_prefetch = 0 : i64, scratch_operands = 3 : i64, tpu.core_type = #tpu.core_type<sc_vector_subcore>, window_params = [{transform_indices = #map}, {transform_indices = #map}, {transform_indices = #map1}]} {
    %mul3A = arith.constant 2 : i32
    %mul3A_0 = arith.muli %arg1, %mul3A : i32
    %add3A = arith.addi %mul3A_0, %arg0 : i32
    %mul3A_1 = arith.constant 200 : i32
    %mul3A_2 = arith.muli %add3A, %mul3A_1 : i32
    %scan3A = arith.constant 0 : i32
    %scan3A_3 = arith.constant 25 : i32
    %scan3A_4 = arith.addi %scan3A, %scan3A_3 : i32
    %scan3A_5 = arith.constant 1 : i32
    scf.for %scan3A_7 = %scan3A to %scan3A_4 step %scan3A_5  : i32 {
      %mul3A_8 = arith.constant 8 : i32
      %mul3A_9 = arith.muli %scan3A_7, %mul3A_8 : i32
      %add3A_10 = arith.addi %mul3A_2, %mul3A_9 : i32
      "tpu.region"() ({
        %run_scoped3A = tpu.sem_alloc : memref<!tpu.dma_semaphore, #tpu.memory_space<semaphore_mem>>
        %dma_start3A_201 = arith.constant 0 : i32
        %dma_start3A_202 = tpu.memref_slice %arg3[%add3A_10, %dma_start3A_201] : memref<6400x125xi32, #tpu.memory_space<hbm>> -> memref<8x125xi32, #tpu.memory_space<hbm>>
        %dma_start3A_203 = arith.constant 0 : i32
        %dma_start3A_204 = tpu.memref_slice %arg3[%add3A_10, %dma_start3A_203] : memref<6400x125xi32, #tpu.memory_space<hbm>> -> memref<8x125xi32, #tpu.memory_space<hbm>>
        tpu.enqueue_dma source(%dma_start3A_204 : memref<8x125xi32, #tpu.memory_space<hbm>>) target(%arg5 : memref<8x125xi32, #tpu.memory_space<vmem>>) target_semaphore(%run_scoped3A : memref<!tpu.dma_semaphore, #tpu.memory_space<semaphore_mem>>)
        %dma_wait3A_205 = arith.constant 0 : i32
        %dma_wait3A_206 = tpu.memref_slice %arg3[%add3A_10, %dma_wait3A_205] : memref<6400x125xi32, #tpu.memory_space<hbm>> -> memref<8x125xi32, #tpu.memory_space<hbm>>
        %dma_wait3A_207 = arith.constant 0 : i32
        %dma_wait3A_208 = tpu.memref_slice %arg3[%add3A_10, %dma_wait3A_207] : memref<6400x125xi32, #tpu.memory_space<hbm>> -> memref<8x125xi32, #tpu.memory_space<hbm>>
        tpu.wait_dma2 semaphore(%run_scoped3A : memref<!tpu.dma_semaphore, #tpu.memory_space<semaphore_mem>>) src(%dma_wait3A_208 : memref<8x125xi32, #tpu.memory_space<hbm>>) dst(%arg5 : memref<8x125xi32, #tpu.memory_space<vmem>>)
        tpu.yield
      }) : () -> ()
      %dma_start3A = arith.constant 0 : i32
      %dma_start3A_11 = arith.constant 0 : i32
      %dma_start3A_12 = arith.constant 0 : i32
      %dma_start3A_13 = arith.constant 0 : i32
      %dma_start3A_14 = tpu.memref_slice %arg6[%dma_start3A_11, %dma_start3A_12, %dma_start3A_13] : memref<8x125x16xf32, #tpu.memory_space<vmem>> -> memref<1x125x16xf32, #tpu.memory_space<vmem>>
      %dma_start3A_15 = tpu.memref_squeeze %dma_start3A_14 : memref<1x125x16xf32, #tpu.memory_space<vmem>> -> memref<125x16xf32, #tpu.memory_space<vmem>>
      %dma_start3A_16 = arith.constant 0 : i32
      %dma_start3A_17 = tpu.memref_slice %arg5[%dma_start3A, %dma_start3A_16] : memref<8x125xi32, #tpu.memory_space<vmem>> -> memref<1x125xi32, #tpu.memory_space<vmem>>
      %dma_start3A_18 = tpu.memref_squeeze %dma_start3A_17 : memref<1x125xi32, #tpu.memory_space<vmem>> -> memref<125xi32, #tpu.memory_space<vmem>>
      %dma_start3A_19 = arith.constant 0 : i32
      %dma_start3A_20 = arith.constant 0 : i32
      %dma_start3A_21 = tpu.memref_slice %arg2[%dma_start3A_19, %dma_start3A_20] : memref<50000x16xf32, #tpu.memory_space<hbm>> -> memref<50000x16xf32, #tpu.memory_space<hbm>>
      tpu.enqueue_indirect_dma source(%dma_start3A_21 : memref<50000x16xf32, #tpu.memory_space<hbm>>) target(%dma_start3A_15 : memref<125x16xf32, #tpu.memory_space<vmem>>) offsets(%dma_start3A_18 : memref<125xi32, #tpu.memory_space<vmem>>) semaphore(%arg7 : memref<!tpu.dma_semaphore, #tpu.memory_space<semaphore_mem>>)
      %dma_start3A_22 = arith.constant 1 : i32
      %dma_start3A_23 = arith.constant 1 : i32
      %dma_start3A_24 = arith.constant 0 : i32
      %dma_start3A_25 = arith.constant 0 : i32
      %dma_start3A_26 = tpu.memref_slice %arg6[%dma_start3A_23, %dma_start3A_24, %dma_start3A_25] : memref<8x125x16xf32, #tpu.memory_space<vmem>> -> memref<1x125x16xf32, #tpu.memory_space<vmem>>
      %dma_start3A_27 = tpu.memref_squeeze %dma_start3A_26 : memref<1x125x16xf32, #tpu.memory_space<vmem>> -> memref<125x16xf32, #tpu.memory_space<vmem>>
      %dma_start3A_28 = arith.constant 0 : i32
      %dma_start3A_29 = tpu.memref_slice %arg5[%dma_start3A_22, %dma_start3A_28] : memref<8x125xi32, #tpu.memory_space<vmem>> -> memref<1x125xi32, #tpu.memory_space<vmem>>
      %dma_start3A_30 = tpu.memref_squeeze %dma_start3A_29 : memref<1x125xi32, #tpu.memory_space<vmem>> -> memref<125xi32, #tpu.memory_space<vmem>>
      %dma_start3A_31 = arith.constant 0 : i32
      %dma_start3A_32 = arith.constant 0 : i32
      %dma_start3A_33 = tpu.memref_slice %arg2[%dma_start3A_31, %dma_start3A_32] : memref<50000x16xf32, #tpu.memory_space<hbm>> -> memref<50000x16xf32, #tpu.memory_space<hbm>>
      tpu.enqueue_indirect_dma source(%dma_start3A_33 : memref<50000x16xf32, #tpu.memory_space<hbm>>) target(%dma_start3A_27 : memref<125x16xf32, #tpu.memory_space<vmem>>) offsets(%dma_start3A_30 : memref<125xi32, #tpu.memory_space<vmem>>) semaphore(%arg7 : memref<!tpu.dma_semaphore, #tpu.memory_space<semaphore_mem>>)
      %dma_start3A_34 = arith.constant 2 : i32
      %dma_start3A_35 = arith.constant 2 : i32
      %dma_start3A_36 = arith.constant 0 : i32
      %dma_start3A_37 = arith.constant 0 : i32
      %dma_start3A_38 = tpu.memref_slice %arg6[%dma_start3A_35, %dma_start3A_36, %dma_start3A_37] : memref<8x125x16xf32, #tpu.memory_space<vmem>> -> memref<1x125x16xf32, #tpu.memory_space<vmem>>
      %dma_start3A_39 = tpu.memref_squeeze %dma_start3A_38 : memref<1x125x16xf32, #tpu.memory_space<vmem>> -> memref<125x16xf32, #tpu.memory_space<vmem>>
      %dma_start3A_40 = arith.constant 0 : i32
      %dma_start3A_41 = tpu.memref_slice %arg5[%dma_start3A_34, %dma_start3A_40] : memref<8x125xi32, #tpu.memory_space<vmem>> -> memref<1x125xi32, #tpu.memory_space<vmem>>
      %dma_start3A_42 = tpu.memref_squeeze %dma_start3A_41 : memref<1x125xi32, #tpu.memory_space<vmem>> -> memref<125xi32, #tpu.memory_space<vmem>>
      %dma_start3A_43 = arith.constant 0 : i32
      %dma_start3A_44 = arith.constant 0 : i32
      %dma_start3A_45 = tpu.memref_slice %arg2[%dma_start3A_43, %dma_start3A_44] : memref<50000x16xf32, #tpu.memory_space<hbm>> -> memref<50000x16xf32, #tpu.memory_space<hbm>>
      tpu.enqueue_indirect_dma source(%dma_start3A_45 : memref<50000x16xf32, #tpu.memory_space<hbm>>) target(%dma_start3A_39 : memref<125x16xf32, #tpu.memory_space<vmem>>) offsets(%dma_start3A_42 : memref<125xi32, #tpu.memory_space<vmem>>) semaphore(%arg7 : memref<!tpu.dma_semaphore, #tpu.memory_space<semaphore_mem>>)
      %dma_start3A_46 = arith.constant 3 : i32
      %dma_start3A_47 = arith.constant 3 : i32
      %dma_start3A_48 = arith.constant 0 : i32
      %dma_start3A_49 = arith.constant 0 : i32
      %dma_start3A_50 = tpu.memref_slice %arg6[%dma_start3A_47, %dma_start3A_48, %dma_start3A_49] : memref<8x125x16xf32, #tpu.memory_space<vmem>> -> memref<1x125x16xf32, #tpu.memory_space<vmem>>
      %dma_start3A_51 = tpu.memref_squeeze %dma_start3A_50 : memref<1x125x16xf32, #tpu.memory_space<vmem>> -> memref<125x16xf32, #tpu.memory_space<vmem>>
      %dma_start3A_52 = arith.constant 0 : i32
      %dma_start3A_53 = tpu.memref_slice %arg5[%dma_start3A_46, %dma_start3A_52] : memref<8x125xi32, #tpu.memory_space<vmem>> -> memref<1x125xi32, #tpu.memory_space<vmem>>
      %dma_start3A_54 = tpu.memref_squeeze %dma_start3A_53 : memref<1x125xi32, #tpu.memory_space<vmem>> -> memref<125xi32, #tpu.memory_space<vmem>>
      %dma_start3A_55 = arith.constant 0 : i32
      %dma_start3A_56 = arith.constant 0 : i32
      %dma_start3A_57 = tpu.memref_slice %arg2[%dma_start3A_55, %dma_start3A_56] : memref<50000x16xf32, #tpu.memory_space<hbm>> -> memref<50000x16xf32, #tpu.memory_space<hbm>>
      tpu.enqueue_indirect_dma source(%dma_start3A_57 : memref<50000x16xf32, #tpu.memory_space<hbm>>) target(%dma_start3A_51 : memref<125x16xf32, #tpu.memory_space<vmem>>) offsets(%dma_start3A_54 : memref<125xi32, #tpu.memory_space<vmem>>) semaphore(%arg7 : memref<!tpu.dma_semaphore, #tpu.memory_space<semaphore_mem>>)
      %dma_start3A_58 = arith.constant 4 : i32
      %dma_start3A_59 = arith.constant 4 : i32
      %dma_start3A_60 = arith.constant 0 : i32
      %dma_start3A_61 = arith.constant 0 : i32
      %dma_start3A_62 = tpu.memref_slice %arg6[%dma_start3A_59, %dma_start3A_60, %dma_start3A_61] : memref<8x125x16xf32, #tpu.memory_space<vmem>> -> memref<1x125x16xf32, #tpu.memory_space<vmem>>
      %dma_start3A_63 = tpu.memref_squeeze %dma_start3A_62 : memref<1x125x16xf32, #tpu.memory_space<vmem>> -> memref<125x16xf32, #tpu.memory_space<vmem>>
      %dma_start3A_64 = arith.constant 0 : i32
      %dma_start3A_65 = tpu.memref_slice %arg5[%dma_start3A_58, %dma_start3A_64] : memref<8x125xi32, #tpu.memory_space<vmem>> -> memref<1x125xi32, #tpu.memory_space<vmem>>
      %dma_start3A_66 = tpu.memref_squeeze %dma_start3A_65 : memref<1x125xi32, #tpu.memory_space<vmem>> -> memref<125xi32, #tpu.memory_space<vmem>>
      %dma_start3A_67 = arith.constant 0 : i32
      %dma_start3A_68 = arith.constant 0 : i32
      %dma_start3A_69 = tpu.memref_slice %arg2[%dma_start3A_67, %dma_start3A_68] : memref<50000x16xf32, #tpu.memory_space<hbm>> -> memref<50000x16xf32, #tpu.memory_space<hbm>>
      tpu.enqueue_indirect_dma source(%dma_start3A_69 : memref<50000x16xf32, #tpu.memory_space<hbm>>) target(%dma_start3A_63 : memref<125x16xf32, #tpu.memory_space<vmem>>) offsets(%dma_start3A_66 : memref<125xi32, #tpu.memory_space<vmem>>) semaphore(%arg7 : memref<!tpu.dma_semaphore, #tpu.memory_space<semaphore_mem>>)
      %dma_start3A_70 = arith.constant 5 : i32
      %dma_start3A_71 = arith.constant 5 : i32
      %dma_start3A_72 = arith.constant 0 : i32
      %dma_start3A_73 = arith.constant 0 : i32
      %dma_start3A_74 = tpu.memref_slice %arg6[%dma_start3A_71, %dma_start3A_72, %dma_start3A_73] : memref<8x125x16xf32, #tpu.memory_space<vmem>> -> memref<1x125x16xf32, #tpu.memory_space<vmem>>
      %dma_start3A_75 = tpu.memref_squeeze %dma_start3A_74 : memref<1x125x16xf32, #tpu.memory_space<vmem>> -> memref<125x16xf32, #tpu.memory_space<vmem>>
      %dma_start3A_76 = arith.constant 0 : i32
      %dma_start3A_77 = tpu.memref_slice %arg5[%dma_start3A_70, %dma_start3A_76] : memref<8x125xi32, #tpu.memory_space<vmem>> -> memref<1x125xi32, #tpu.memory_space<vmem>>
      %dma_start3A_78 = tpu.memref_squeeze %dma_start3A_77 : memref<1x125xi32, #tpu.memory_space<vmem>> -> memref<125xi32, #tpu.memory_space<vmem>>
      %dma_start3A_79 = arith.constant 0 : i32
      %dma_start3A_80 = arith.constant 0 : i32
      %dma_start3A_81 = tpu.memref_slice %arg2[%dma_start3A_79, %dma_start3A_80] : memref<50000x16xf32, #tpu.memory_space<hbm>> -> memref<50000x16xf32, #tpu.memory_space<hbm>>
      tpu.enqueue_indirect_dma source(%dma_start3A_81 : memref<50000x16xf32, #tpu.memory_space<hbm>>) target(%dma_start3A_75 : memref<125x16xf32, #tpu.memory_space<vmem>>) offsets(%dma_start3A_78 : memref<125xi32, #tpu.memory_space<vmem>>) semaphore(%arg7 : memref<!tpu.dma_semaphore, #tpu.memory_space<semaphore_mem>>)
      %dma_start3A_82 = arith.constant 6 : i32
      %dma_start3A_83 = arith.constant 6 : i32
      %dma_start3A_84 = arith.constant 0 : i32
      %dma_start3A_85 = arith.constant 0 : i32
      %dma_start3A_86 = tpu.memref_slice %arg6[%dma_start3A_83, %dma_start3A_84, %dma_start3A_85] : memref<8x125x16xf32, #tpu.memory_space<vmem>> -> memref<1x125x16xf32, #tpu.memory_space<vmem>>
      %dma_start3A_87 = tpu.memref_squeeze %dma_start3A_86 : memref<1x125x16xf32, #tpu.memory_space<vmem>> -> memref<125x16xf32, #tpu.memory_space<vmem>>
      %dma_start3A_88 = arith.constant 0 : i32
      %dma_start3A_89 = tpu.memref_slice %arg5[%dma_start3A_82, %dma_start3A_88] : memref<8x125xi32, #tpu.memory_space<vmem>> -> memref<1x125xi32, #tpu.memory_space<vmem>>
      %dma_start3A_90 = tpu.memref_squeeze %dma_start3A_89 : memref<1x125xi32, #tpu.memory_space<vmem>> -> memref<125xi32, #tpu.memory_space<vmem>>
      %dma_start3A_91 = arith.constant 0 : i32
      %dma_start3A_92 = arith.constant 0 : i32
      %dma_start3A_93 = tpu.memref_slice %arg2[%dma_start3A_91, %dma_start3A_92] : memref<50000x16xf32, #tpu.memory_space<hbm>> -> memref<50000x16xf32, #tpu.memory_space<hbm>>
      tpu.enqueue_indirect_dma source(%dma_start3A_93 : memref<50000x16xf32, #tpu.memory_space<hbm>>) target(%dma_start3A_87 : memref<125x16xf32, #tpu.memory_space<vmem>>) offsets(%dma_start3A_90 : memref<125xi32, #tpu.memory_space<vmem>>) semaphore(%arg7 : memref<!tpu.dma_semaphore, #tpu.memory_space<semaphore_mem>>)
      %dma_start3A_94 = arith.constant 7 : i32
      %dma_start3A_95 = arith.constant 7 : i32
      %dma_start3A_96 = arith.constant 0 : i32
      %dma_start3A_97 = arith.constant 0 : i32
      %dma_start3A_98 = tpu.memref_slice %arg6[%dma_start3A_95, %dma_start3A_96, %dma_start3A_97] : memref<8x125x16xf32, #tpu.memory_space<vmem>> -> memref<1x125x16xf32, #tpu.memory_space<vmem>>
      %dma_start3A_99 = tpu.memref_squeeze %dma_start3A_98 : memref<1x125x16xf32, #tpu.memory_space<vmem>> -> memref<125x16xf32, #tpu.memory_space<vmem>>
      %dma_start3A_100 = arith.constant 0 : i32
      %dma_start3A_101 = tpu.memref_slice %arg5[%dma_start3A_94, %dma_start3A_100] : memref<8x125xi32, #tpu.memory_space<vmem>> -> memref<1x125xi32, #tpu.memory_space<vmem>>
      %dma_start3A_102 = tpu.memref_squeeze %dma_start3A_101 : memref<1x125xi32, #tpu.memory_space<vmem>> -> memref<125xi32, #tpu.memory_space<vmem>>
      %dma_start3A_103 = arith.constant 0 : i32
      %dma_start3A_104 = arith.constant 0 : i32
      %dma_start3A_105 = tpu.memref_slice %arg2[%dma_start3A_103, %dma_start3A_104] : memref<50000x16xf32, #tpu.memory_space<hbm>> -> memref<50000x16xf32, #tpu.memory_space<hbm>>
      tpu.enqueue_indirect_dma source(%dma_start3A_105 : memref<50000x16xf32, #tpu.memory_space<hbm>>) target(%dma_start3A_99 : memref<125x16xf32, #tpu.memory_space<vmem>>) offsets(%dma_start3A_102 : memref<125xi32, #tpu.memory_space<vmem>>) semaphore(%arg7 : memref<!tpu.dma_semaphore, #tpu.memory_space<semaphore_mem>>)
      %dma_wait3A = arith.constant 0 : i32
      %dma_wait3A_106 = arith.constant 0 : i32
      %dma_wait3A_107 = arith.constant 0 : i32
      %dma_wait3A_108 = arith.constant 0 : i32
      %dma_wait3A_109 = tpu.memref_slice %arg6[%dma_wait3A_106, %dma_wait3A_107, %dma_wait3A_108] : memref<8x125x16xf32, #tpu.memory_space<vmem>> -> memref<1x125x16xf32, #tpu.memory_space<vmem>>
      %dma_wait3A_110 = tpu.memref_squeeze %dma_wait3A_109 : memref<1x125x16xf32, #tpu.memory_space<vmem>> -> memref<125x16xf32, #tpu.memory_space<vmem>>
      %dma_wait3A_111 = arith.constant 0 : i32
      %dma_wait3A_112 = tpu.memref_slice %arg5[%dma_wait3A, %dma_wait3A_111] : memref<8x125xi32, #tpu.memory_space<vmem>> -> memref<1x125xi32, #tpu.memory_space<vmem>>
      %dma_wait3A_113 = tpu.memref_squeeze %dma_wait3A_112 : memref<1x125xi32, #tpu.memory_space<vmem>> -> memref<125xi32, #tpu.memory_space<vmem>>
      %dma_wait3A_114 = arith.constant 0 : i32
      %dma_wait3A_115 = arith.constant 0 : i32
      %dma_wait3A_116 = tpu.memref_slice %arg2[%dma_wait3A_114, %dma_wait3A_115] : memref<50000x16xf32, #tpu.memory_space<hbm>> -> memref<50000x16xf32, #tpu.memory_space<hbm>>
      tpu.wait_indirect_dma semaphore(%arg7 : memref<!tpu.dma_semaphore, #tpu.memory_space<semaphore_mem>>) src(%dma_wait3A_116 : memref<50000x16xf32, #tpu.memory_space<hbm>>) dst(%dma_wait3A_110 : memref<125x16xf32, #tpu.memory_space<vmem>>)
      %dma_wait3A_117 = arith.constant 1 : i32
      %dma_wait3A_118 = arith.constant 1 : i32
      %dma_wait3A_119 = arith.constant 0 : i32
      %dma_wait3A_120 = arith.constant 0 : i32
      %dma_wait3A_121 = tpu.memref_slice %arg6[%dma_wait3A_118, %dma_wait3A_119, %dma_wait3A_120] : memref<8x125x16xf32, #tpu.memory_space<vmem>> -> memref<1x125x16xf32, #tpu.memory_space<vmem>>
      %dma_wait3A_122 = tpu.memref_squeeze %dma_wait3A_121 : memref<1x125x16xf32, #tpu.memory_space<vmem>> -> memref<125x16xf32, #tpu.memory_space<vmem>>
      %dma_wait3A_123 = arith.constant 0 : i32
      %dma_wait3A_124 = tpu.memref_slice %arg5[%dma_wait3A_117, %dma_wait3A_123] : memref<8x125xi32, #tpu.memory_space<vmem>> -> memref<1x125xi32, #tpu.memory_space<vmem>>
      %dma_wait3A_125 = tpu.memref_squeeze %dma_wait3A_124 : memref<1x125xi32, #tpu.memory_space<vmem>> -> memref<125xi32, #tpu.memory_space<vmem>>
      %dma_wait3A_126 = arith.constant 0 : i32
      %dma_wait3A_127 = arith.constant 0 : i32
      %dma_wait3A_128 = tpu.memref_slice %arg2[%dma_wait3A_126, %dma_wait3A_127] : memref<50000x16xf32, #tpu.memory_space<hbm>> -> memref<50000x16xf32, #tpu.memory_space<hbm>>
      tpu.wait_indirect_dma semaphore(%arg7 : memref<!tpu.dma_semaphore, #tpu.memory_space<semaphore_mem>>) src(%dma_wait3A_128 : memref<50000x16xf32, #tpu.memory_space<hbm>>) dst(%dma_wait3A_122 : memref<125x16xf32, #tpu.memory_space<vmem>>)
      %dma_wait3A_129 = arith.constant 2 : i32
      %dma_wait3A_130 = arith.constant 2 : i32
      %dma_wait3A_131 = arith.constant 0 : i32
      %dma_wait3A_132 = arith.constant 0 : i32
      %dma_wait3A_133 = tpu.memref_slice %arg6[%dma_wait3A_130, %dma_wait3A_131, %dma_wait3A_132] : memref<8x125x16xf32, #tpu.memory_space<vmem>> -> memref<1x125x16xf32, #tpu.memory_space<vmem>>
      %dma_wait3A_134 = tpu.memref_squeeze %dma_wait3A_133 : memref<1x125x16xf32, #tpu.memory_space<vmem>> -> memref<125x16xf32, #tpu.memory_space<vmem>>
      %dma_wait3A_135 = arith.constant 0 : i32
      %dma_wait3A_136 = tpu.memref_slice %arg5[%dma_wait3A_129, %dma_wait3A_135] : memref<8x125xi32, #tpu.memory_space<vmem>> -> memref<1x125xi32, #tpu.memory_space<vmem>>
      %dma_wait3A_137 = tpu.memref_squeeze %dma_wait3A_136 : memref<1x125xi32, #tpu.memory_space<vmem>> -> memref<125xi32, #tpu.memory_space<vmem>>
      %dma_wait3A_138 = arith.constant 0 : i32
      %dma_wait3A_139 = arith.constant 0 : i32
      %dma_wait3A_140 = tpu.memref_slice %arg2[%dma_wait3A_138, %dma_wait3A_139] : memref<50000x16xf32, #tpu.memory_space<hbm>> -> memref<50000x16xf32, #tpu.memory_space<hbm>>
      tpu.wait_indirect_dma semaphore(%arg7 : memref<!tpu.dma_semaphore, #tpu.memory_space<semaphore_mem>>) src(%dma_wait3A_140 : memref<50000x16xf32, #tpu.memory_space<hbm>>) dst(%dma_wait3A_134 : memref<125x16xf32, #tpu.memory_space<vmem>>)
      %dma_wait3A_141 = arith.constant 3 : i32
      %dma_wait3A_142 = arith.constant 3 : i32
      %dma_wait3A_143 = arith.constant 0 : i32
      %dma_wait3A_144 = arith.constant 0 : i32
      %dma_wait3A_145 = tpu.memref_slice %arg6[%dma_wait3A_142, %dma_wait3A_143, %dma_wait3A_144] : memref<8x125x16xf32, #tpu.memory_space<vmem>> -> memref<1x125x16xf32, #tpu.memory_space<vmem>>
      %dma_wait3A_146 = tpu.memref_squeeze %dma_wait3A_145 : memref<1x125x16xf32, #tpu.memory_space<vmem>> -> memref<125x16xf32, #tpu.memory_space<vmem>>
      %dma_wait3A_147 = arith.constant 0 : i32
      %dma_wait3A_148 = tpu.memref_slice %arg5[%dma_wait3A_141, %dma_wait3A_147] : memref<8x125xi32, #tpu.memory_space<vmem>> -> memref<1x125xi32, #tpu.memory_space<vmem>>
      %dma_wait3A_149 = tpu.memref_squeeze %dma_wait3A_148 : memref<1x125xi32, #tpu.memory_space<vmem>> -> memref<125xi32, #tpu.memory_space<vmem>>
      %dma_wait3A_150 = arith.constant 0 : i32
      %dma_wait3A_151 = arith.constant 0 : i32
      %dma_wait3A_152 = tpu.memref_slice %arg2[%dma_wait3A_150, %dma_wait3A_151] : memref<50000x16xf32, #tpu.memory_space<hbm>> -> memref<50000x16xf32, #tpu.memory_space<hbm>>
      tpu.wait_indirect_dma semaphore(%arg7 : memref<!tpu.dma_semaphore, #tpu.memory_space<semaphore_mem>>) src(%dma_wait3A_152 : memref<50000x16xf32, #tpu.memory_space<hbm>>) dst(%dma_wait3A_146 : memref<125x16xf32, #tpu.memory_space<vmem>>)
      %dma_wait3A_153 = arith.constant 4 : i32
      %dma_wait3A_154 = arith.constant 4 : i32
      %dma_wait3A_155 = arith.constant 0 : i32
      %dma_wait3A_156 = arith.constant 0 : i32
      %dma_wait3A_157 = tpu.memref_slice %arg6[%dma_wait3A_154, %dma_wait3A_155, %dma_wait3A_156] : memref<8x125x16xf32, #tpu.memory_space<vmem>> -> memref<1x125x16xf32, #tpu.memory_space<vmem>>
      %dma_wait3A_158 = tpu.memref_squeeze %dma_wait3A_157 : memref<1x125x16xf32, #tpu.memory_space<vmem>> -> memref<125x16xf32, #tpu.memory_space<vmem>>
      %dma_wait3A_159 = arith.constant 0 : i32
      %dma_wait3A_160 = tpu.memref_slice %arg5[%dma_wait3A_153, %dma_wait3A_159] : memref<8x125xi32, #tpu.memory_space<vmem>> -> memref<1x125xi32, #tpu.memory_space<vmem>>
      %dma_wait3A_161 = tpu.memref_squeeze %dma_wait3A_160 : memref<1x125xi32, #tpu.memory_space<vmem>> -> memref<125xi32, #tpu.memory_space<vmem>>
      %dma_wait3A_162 = arith.constant 0 : i32
      %dma_wait3A_163 = arith.constant 0 : i32
      %dma_wait3A_164 = tpu.memref_slice %arg2[%dma_wait3A_162, %dma_wait3A_163] : memref<50000x16xf32, #tpu.memory_space<hbm>> -> memref<50000x16xf32, #tpu.memory_space<hbm>>
      tpu.wait_indirect_dma semaphore(%arg7 : memref<!tpu.dma_semaphore, #tpu.memory_space<semaphore_mem>>) src(%dma_wait3A_164 : memref<50000x16xf32, #tpu.memory_space<hbm>>) dst(%dma_wait3A_158 : memref<125x16xf32, #tpu.memory_space<vmem>>)
      %dma_wait3A_165 = arith.constant 5 : i32
      %dma_wait3A_166 = arith.constant 5 : i32
      %dma_wait3A_167 = arith.constant 0 : i32
      %dma_wait3A_168 = arith.constant 0 : i32
      %dma_wait3A_169 = tpu.memref_slice %arg6[%dma_wait3A_166, %dma_wait3A_167, %dma_wait3A_168] : memref<8x125x16xf32, #tpu.memory_space<vmem>> -> memref<1x125x16xf32, #tpu.memory_space<vmem>>
      %dma_wait3A_170 = tpu.memref_squeeze %dma_wait3A_169 : memref<1x125x16xf32, #tpu.memory_space<vmem>> -> memref<125x16xf32, #tpu.memory_space<vmem>>
      %dma_wait3A_171 = arith.constant 0 : i32
      %dma_wait3A_172 = tpu.memref_slice %arg5[%dma_wait3A_165, %dma_wait3A_171] : memref<8x125xi32, #tpu.memory_space<vmem>> -> memref<1x125xi32, #tpu.memory_space<vmem>>
      %dma_wait3A_173 = tpu.memref_squeeze %dma_wait3A_172 : memref<1x125xi32, #tpu.memory_space<vmem>> -> memref<125xi32, #tpu.memory_space<vmem>>
      %dma_wait3A_174 = arith.constant 0 : i32
      %dma_wait3A_175 = arith.constant 0 : i32
      %dma_wait3A_176 = tpu.memref_slice %arg2[%dma_wait3A_174, %dma_wait3A_175] : memref<50000x16xf32, #tpu.memory_space<hbm>> -> memref<50000x16xf32, #tpu.memory_space<hbm>>
      tpu.wait_indirect_dma semaphore(%arg7 : memref<!tpu.dma_semaphore, #tpu.memory_space<semaphore_mem>>) src(%dma_wait3A_176 : memref<50000x16xf32, #tpu.memory_space<hbm>>) dst(%dma_wait3A_170 : memref<125x16xf32, #tpu.memory_space<vmem>>)
      %dma_wait3A_177 = arith.constant 6 : i32
      %dma_wait3A_178 = arith.constant 6 : i32
      %dma_wait3A_179 = arith.constant 0 : i32
      %dma_wait3A_180 = arith.constant 0 : i32
      %dma_wait3A_181 = tpu.memref_slice %arg6[%dma_wait3A_178, %dma_wait3A_179, %dma_wait3A_180] : memref<8x125x16xf32, #tpu.memory_space<vmem>> -> memref<1x125x16xf32, #tpu.memory_space<vmem>>
      %dma_wait3A_182 = tpu.memref_squeeze %dma_wait3A_181 : memref<1x125x16xf32, #tpu.memory_space<vmem>> -> memref<125x16xf32, #tpu.memory_space<vmem>>
      %dma_wait3A_183 = arith.constant 0 : i32
      %dma_wait3A_184 = tpu.memref_slice %arg5[%dma_wait3A_177, %dma_wait3A_183] : memref<8x125xi32, #tpu.memory_space<vmem>> -> memref<1x125xi32, #tpu.memory_space<vmem>>
      %dma_wait3A_185 = tpu.memref_squeeze %dma_wait3A_184 : memref<1x125xi32, #tpu.memory_space<vmem>> -> memref<125xi32, #tpu.memory_space<vmem>>
      %dma_wait3A_186 = arith.constant 0 : i32
      %dma_wait3A_187 = arith.constant 0 : i32
      %dma_wait3A_188 = tpu.memref_slice %arg2[%dma_wait3A_186, %dma_wait3A_187] : memref<50000x16xf32, #tpu.memory_space<hbm>> -> memref<50000x16xf32, #tpu.memory_space<hbm>>
      tpu.wait_indirect_dma semaphore(%arg7 : memref<!tpu.dma_semaphore, #tpu.memory_space<semaphore_mem>>) src(%dma_wait3A_188 : memref<50000x16xf32, #tpu.memory_space<hbm>>) dst(%dma_wait3A_182 : memref<125x16xf32, #tpu.memory_space<vmem>>)
      %dma_wait3A_189 = arith.constant 7 : i32
      %dma_wait3A_190 = arith.constant 7 : i32
      %dma_wait3A_191 = arith.constant 0 : i32
      %dma_wait3A_192 = arith.constant 0 : i32
      %dma_wait3A_193 = tpu.memref_slice %arg6[%dma_wait3A_190, %dma_wait3A_191, %dma_wait3A_192] : memref<8x125x16xf32, #tpu.memory_space<vmem>> -> memref<1x125x16xf32, #tpu.memory_space<vmem>>
      %dma_wait3A_194 = tpu.memref_squeeze %dma_wait3A_193 : memref<1x125x16xf32, #tpu.memory_space<vmem>> -> memref<125x16xf32, #tpu.memory_space<vmem>>
      %dma_wait3A_195 = arith.constant 0 : i32
      %dma_wait3A_196 = tpu.memref_slice %arg5[%dma_wait3A_189, %dma_wait3A_195] : memref<8x125xi32, #tpu.memory_space<vmem>> -> memref<1x125xi32, #tpu.memory_space<vmem>>
      %dma_wait3A_197 = tpu.memref_squeeze %dma_wait3A_196 : memref<1x125xi32, #tpu.memory_space<vmem>> -> memref<125xi32, #tpu.memory_space<vmem>>
      %dma_wait3A_198 = arith.constant 0 : i32
      %dma_wait3A_199 = arith.constant 0 : i32
      %dma_wait3A_200 = tpu.memref_slice %arg2[%dma_wait3A_198, %dma_wait3A_199] : memref<50000x16xf32, #tpu.memory_space<hbm>> -> memref<50000x16xf32, #tpu.memory_space<hbm>>
      tpu.wait_indirect_dma semaphore(%arg7 : memref<!tpu.dma_semaphore, #tpu.memory_space<semaphore_mem>>) src(%dma_wait3A_200 : memref<50000x16xf32, #tpu.memory_space<hbm>>) dst(%dma_wait3A_194 : memref<125x16xf32, #tpu.memory_space<vmem>>)
      "tpu.region"() ({
        %run_scoped3A = tpu.sem_alloc : memref<!tpu.dma_semaphore, #tpu.memory_space<semaphore_mem>>
        %dma_start3A_201 = arith.constant 0 : i32
        %dma_start3A_202 = arith.constant 0 : i32
        %dma_start3A_203 = tpu.memref_slice %arg4[%add3A_10, %dma_start3A_201, %dma_start3A_202] : memref<6400x125x16xf32, #tpu.memory_space<hbm>> -> memref<8x125x16xf32, #tpu.memory_space<hbm>>
        %dma_start3A_204 = arith.constant 0 : i32
        %dma_start3A_205 = arith.constant 0 : i32
        %dma_start3A_206 = tpu.memref_slice %arg4[%add3A_10, %dma_start3A_204, %dma_start3A_205] : memref<6400x125x16xf32, #tpu.memory_space<hbm>> -> memref<8x125x16xf32, #tpu.memory_space<hbm>>
        tpu.enqueue_dma source(%arg6 : memref<8x125x16xf32, #tpu.memory_space<vmem>>) target(%dma_start3A_206 : memref<8x125x16xf32, #tpu.memory_space<hbm>>) target_semaphore(%run_scoped3A : memref<!tpu.dma_semaphore, #tpu.memory_space<semaphore_mem>>)
        %dma_wait3A_207 = arith.constant 0 : i32
        %dma_wait3A_208 = arith.constant 0 : i32
        %dma_wait3A_209 = tpu.memref_slice %arg4[%add3A_10, %dma_wait3A_207, %dma_wait3A_208] : memref<6400x125x16xf32, #tpu.memory_space<hbm>> -> memref<8x125x16xf32, #tpu.memory_space<hbm>>
        %dma_wait3A_210 = arith.constant 0 : i32
        %dma_wait3A_211 = arith.constant 0 : i32
        %dma_wait3A_212 = tpu.memref_slice %arg4[%add3A_10, %dma_wait3A_210, %dma_wait3A_211] : memref<6400x125x16xf32, #tpu.memory_space<hbm>> -> memref<8x125x16xf32, #tpu.memory_space<hbm>>
        tpu.wait_dma2 semaphore(%run_scoped3A : memref<!tpu.dma_semaphore, #tpu.memory_space<semaphore_mem>>) src(%arg6 : memref<8x125x16xf32, #tpu.memory_space<vmem>>) dst(%dma_wait3A_212 : memref<8x125x16xf32, #tpu.memory_space<hbm>>)
        tpu.yield
      }) : () -> ()
    }
    %scan3A_6 = arith.constant 25 : i32
    return
  }
}

module attributes {stable_mosaic.version = 14 : i64} {
  func.func @body(%arg0: i32, %arg1: memref<8x2000x16xf32, #tpu.memory_space<vmem>>, %arg2: memref<24x128xf32, #tpu.memory_space<vmem>>, %arg3: memref<24x128xf32, #tpu.memory_space<vmem>>, %arg4: memref<16x128xf32, #tpu.memory_space<vmem>>, %arg5: memref<128x128xf32, #tpu.memory_space<vmem>>, %arg6: memref<128x128xf32, #tpu.memory_space<vmem>>, %arg7: memref<1x128xf32, #tpu.memory_space<vmem>>, %arg8: memref<1x128xf32, #tpu.memory_space<vmem>>, %arg9: memref<1x1xf32, #tpu.memory_space<vmem>>, %arg10: memref<1x1xf32, #tpu.memory_space<vmem>>) attributes {dimension_semantics = [#tpu.dimension_semantics<arbitrary>], iteration_bounds = array<i64: 50>, scalar_prefetch = 0 : i64, scratch_operands = 0 : i64, tpu.core_type = #tpu.core_type<tc>, window_params = [{transform_indices = @transform_0, window_bounds = array<i64: 8, 2000, 16>}, {transform_indices = @transform_1, window_bounds = array<i64: 24, 128>}, {transform_indices = @transform_2, window_bounds = array<i64: 24, 128>}, {pipeline_mode = #tpu.pipeline_mode<synchronous>, transform_indices = @transform_3, window_bounds = array<i64: 16, 128>}, {pipeline_mode = #tpu.pipeline_mode<synchronous>, transform_indices = @transform_4, window_bounds = array<i64: 128, 128>}, {pipeline_mode = #tpu.pipeline_mode<synchronous>, transform_indices = @transform_5, window_bounds = array<i64: 128, 128>}, {pipeline_mode = #tpu.pipeline_mode<synchronous>, transform_indices = @transform_6, window_bounds = array<i64: 1, 128>}, {pipeline_mode = #tpu.pipeline_mode<synchronous>, transform_indices = @transform_7, window_bounds = array<i64: 1, 128>}, {pipeline_mode = #tpu.pipeline_mode<synchronous>, transform_indices = @transform_8, window_bounds = array<i64: 1, 1>}, {pipeline_mode = #tpu.pipeline_mode<synchronous>, transform_indices = @transform_9, window_bounds = array<i64: 1, 1>}]} {
    %get3A = arith.constant 0 : index
    %get3A_0 = arith.constant 0 : index
    %get3A_1 = vector.load %arg2[%get3A, %get3A_0] : memref<24x128xf32, #tpu.memory_space<vmem>>, vector<24x128xf32>
    %mul3A = arith.mulf %get3A_1, %get3A_1 : vector<24x128xf32>
    %get3A_2 = arith.constant 0 : index
    %get3A_3 = arith.constant 0 : index
    %get3A_4 = vector.load %arg3[%get3A_2, %get3A_3] : memref<24x128xf32, #tpu.memory_space<vmem>>, vector<24x128xf32>
    %mul3A_5 = arith.mulf %mul3A, %get3A_4 : vector<24x128xf32>
    %reduce_sum3A = vector.shape_cast %mul3A_5 : vector<24x128xf32> to vector<1x24x128xf32>
    %reduce_sum3A_6 = arith.constant dense<0.000000e+00> : vector<1xf32>
    %reduce_sum3A_7 = vector.multi_reduction <add>, %reduce_sum3A, %reduce_sum3A_6 [1, 2] : vector<1x24x128xf32> to vector<1xf32>
    %reduce_sum3A_8 = vector.shape_cast %reduce_sum3A_7 : vector<1xf32> to vector<1x1x1xf32>
    %reduce_sum3A_9 = vector.extract %reduce_sum3A_8[0, 0, 0] : f32 from vector<1x1x1xf32>
    %broadcast_in_dim3A = vector.broadcast %reduce_sum3A_9 : f32 to vector<1x1xf32>
    %mul3A_10 = arith.constant 5.000000e-01 : f32
    %mul3A_11 = vector.broadcast %mul3A_10 : f32 to vector<1x1xf32>
    %mul3A_12 = arith.mulf %mul3A_11, %broadcast_in_dim3A : vector<1x1xf32>
    %get3A_13 = arith.constant 0 : index
    %get3A_14 = arith.constant 0 : index
    %get3A_15 = vector.load %arg4[%get3A_13, %get3A_14] : memref<16x128xf32, #tpu.memory_space<vmem>>, vector<16x128xf32>
    %convert_element_type3A = arith.truncf %get3A_15 : vector<16x128xf32> to vector<16x128xbf16>
    %get3A_16 = arith.constant 0 : index
    %get3A_17 = arith.constant 0 : index
    %get3A_18 = arith.constant 0 : index
    %get3A_19 = vector.load %arg1[%get3A_16, %get3A_17, %get3A_18] : memref<8x2000x16xf32, #tpu.memory_space<vmem>>, vector<1x2000x16xf32>
    %get3A_20 = vector.shape_cast %get3A_19 : vector<1x2000x16xf32> to vector<2000x16xf32>
    %convert_element_type3A_21 = arith.truncf %get3A_20 : vector<2000x16xf32> to vector<2000x16xbf16>
    %dot_general3A = arith.constant dense<0.000000e+00> : vector<2000x128xf32>
    %dot_general3A_22 = tpu.matmul %convert_element_type3A_21, %convert_element_type3A, %dot_general3A {dimension_numbers = #tpu.dot_dimension_numbers<[1], [0], [0], [1], [0, 0, 1, 1], [], []>, transpose_lhs_hint = false} : vector<2000x16xbf16>, vector<16x128xbf16>, vector<2000x128xf32> -> vector<2000x128xf32>
    %get3A_23 = arith.constant 1 : index
    %get3A_24 = arith.constant 0 : index
    %get3A_25 = arith.constant 0 : index
    %get3A_26 = vector.load %arg1[%get3A_23, %get3A_24, %get3A_25] : memref<8x2000x16xf32, #tpu.memory_space<vmem>>, vector<1x2000x16xf32>
    %get3A_27 = vector.shape_cast %get3A_26 : vector<1x2000x16xf32> to vector<2000x16xf32>
    %convert_element_type3A_28 = arith.truncf %get3A_27 : vector<2000x16xf32> to vector<2000x16xbf16>
    %dot_general3A_29 = arith.constant dense<0.000000e+00> : vector<2000x128xf32>
    %dot_general3A_30 = tpu.matmul %convert_element_type3A_28, %convert_element_type3A, %dot_general3A_29 {dimension_numbers = #tpu.dot_dimension_numbers<[1], [0], [0], [1], [0, 0, 1, 1], [], []>, transpose_lhs_hint = false} : vector<2000x16xbf16>, vector<16x128xbf16>, vector<2000x128xf32> -> vector<2000x128xf32>
    %get3A_31 = arith.constant 2 : index
    %get3A_32 = arith.constant 0 : index
    %get3A_33 = arith.constant 0 : index
    %get3A_34 = vector.load %arg1[%get3A_31, %get3A_32, %get3A_33] : memref<8x2000x16xf32, #tpu.memory_space<vmem>>, vector<1x2000x16xf32>
    %get3A_35 = vector.shape_cast %get3A_34 : vector<1x2000x16xf32> to vector<2000x16xf32>
    %convert_element_type3A_36 = arith.truncf %get3A_35 : vector<2000x16xf32> to vector<2000x16xbf16>
    %dot_general3A_37 = arith.constant dense<0.000000e+00> : vector<2000x128xf32>
    %dot_general3A_38 = tpu.matmul %convert_element_type3A_36, %convert_element_type3A, %dot_general3A_37 {dimension_numbers = #tpu.dot_dimension_numbers<[1], [0], [0], [1], [0, 0, 1, 1], [], []>, transpose_lhs_hint = false} : vector<2000x16xbf16>, vector<16x128xbf16>, vector<2000x128xf32> -> vector<2000x128xf32>
    %get3A_39 = arith.constant 3 : index
    %get3A_40 = arith.constant 0 : index
    %get3A_41 = arith.constant 0 : index
    %get3A_42 = vector.load %arg1[%get3A_39, %get3A_40, %get3A_41] : memref<8x2000x16xf32, #tpu.memory_space<vmem>>, vector<1x2000x16xf32>
    %get3A_43 = vector.shape_cast %get3A_42 : vector<1x2000x16xf32> to vector<2000x16xf32>
    %convert_element_type3A_44 = arith.truncf %get3A_43 : vector<2000x16xf32> to vector<2000x16xbf16>
    %dot_general3A_45 = arith.constant dense<0.000000e+00> : vector<2000x128xf32>
    %dot_general3A_46 = tpu.matmul %convert_element_type3A_44, %convert_element_type3A, %dot_general3A_45 {dimension_numbers = #tpu.dot_dimension_numbers<[1], [0], [0], [1], [0, 0, 1, 1], [], []>, transpose_lhs_hint = false} : vector<2000x16xbf16>, vector<16x128xbf16>, vector<2000x128xf32> -> vector<2000x128xf32>
    %get3A_47 = arith.constant 4 : index
    %get3A_48 = arith.constant 0 : index
    %get3A_49 = arith.constant 0 : index
    %get3A_50 = vector.load %arg1[%get3A_47, %get3A_48, %get3A_49] : memref<8x2000x16xf32, #tpu.memory_space<vmem>>, vector<1x2000x16xf32>
    %get3A_51 = vector.shape_cast %get3A_50 : vector<1x2000x16xf32> to vector<2000x16xf32>
    %convert_element_type3A_52 = arith.truncf %get3A_51 : vector<2000x16xf32> to vector<2000x16xbf16>
    %dot_general3A_53 = arith.constant dense<0.000000e+00> : vector<2000x128xf32>
    %dot_general3A_54 = tpu.matmul %convert_element_type3A_52, %convert_element_type3A, %dot_general3A_53 {dimension_numbers = #tpu.dot_dimension_numbers<[1], [0], [0], [1], [0, 0, 1, 1], [], []>, transpose_lhs_hint = false} : vector<2000x16xbf16>, vector<16x128xbf16>, vector<2000x128xf32> -> vector<2000x128xf32>
    %get3A_55 = arith.constant 5 : index
    %get3A_56 = arith.constant 0 : index
    %get3A_57 = arith.constant 0 : index
    %get3A_58 = vector.load %arg1[%get3A_55, %get3A_56, %get3A_57] : memref<8x2000x16xf32, #tpu.memory_space<vmem>>, vector<1x2000x16xf32>
    %get3A_59 = vector.shape_cast %get3A_58 : vector<1x2000x16xf32> to vector<2000x16xf32>
    %convert_element_type3A_60 = arith.truncf %get3A_59 : vector<2000x16xf32> to vector<2000x16xbf16>
    %dot_general3A_61 = arith.constant dense<0.000000e+00> : vector<2000x128xf32>
    %dot_general3A_62 = tpu.matmul %convert_element_type3A_60, %convert_element_type3A, %dot_general3A_61 {dimension_numbers = #tpu.dot_dimension_numbers<[1], [0], [0], [1], [0, 0, 1, 1], [], []>, transpose_lhs_hint = false} : vector<2000x16xbf16>, vector<16x128xbf16>, vector<2000x128xf32> -> vector<2000x128xf32>
    %get3A_63 = arith.constant 6 : index
    %get3A_64 = arith.constant 0 : index
    %get3A_65 = arith.constant 0 : index
    %get3A_66 = vector.load %arg1[%get3A_63, %get3A_64, %get3A_65] : memref<8x2000x16xf32, #tpu.memory_space<vmem>>, vector<1x2000x16xf32>
    %get3A_67 = vector.shape_cast %get3A_66 : vector<1x2000x16xf32> to vector<2000x16xf32>
    %convert_element_type3A_68 = arith.truncf %get3A_67 : vector<2000x16xf32> to vector<2000x16xbf16>
    %dot_general3A_69 = arith.constant dense<0.000000e+00> : vector<2000x128xf32>
    %dot_general3A_70 = tpu.matmul %convert_element_type3A_68, %convert_element_type3A, %dot_general3A_69 {dimension_numbers = #tpu.dot_dimension_numbers<[1], [0], [0], [1], [0, 0, 1, 1], [], []>, transpose_lhs_hint = false} : vector<2000x16xbf16>, vector<16x128xbf16>, vector<2000x128xf32> -> vector<2000x128xf32>
    %get3A_71 = arith.constant 7 : index
    %get3A_72 = arith.constant 0 : index
    %get3A_73 = arith.constant 0 : index
    %get3A_74 = vector.load %arg1[%get3A_71, %get3A_72, %get3A_73] : memref<8x2000x16xf32, #tpu.memory_space<vmem>>, vector<1x2000x16xf32>
    %get3A_75 = vector.shape_cast %get3A_74 : vector<1x2000x16xf32> to vector<2000x16xf32>
    %convert_element_type3A_76 = arith.truncf %get3A_75 : vector<2000x16xf32> to vector<2000x16xbf16>
    %dot_general3A_77 = arith.constant dense<0.000000e+00> : vector<2000x128xf32>
    %dot_general3A_78 = tpu.matmul %convert_element_type3A_76, %convert_element_type3A, %dot_general3A_77 {dimension_numbers = #tpu.dot_dimension_numbers<[1], [0], [0], [1], [0, 0, 1, 1], [], []>, transpose_lhs_hint = false} : vector<2000x16xbf16>, vector<16x128xbf16>, vector<2000x128xf32> -> vector<2000x128xf32>
    %get3A_79 = arith.constant 0 : index
    %get3A_80 = arith.constant 0 : index
    %get3A_81 = arith.constant 0 : index
    %get3A_82 = vector.load %arg1[%get3A_79, %get3A_80, %get3A_81] : memref<8x2000x16xf32, #tpu.memory_space<vmem>>, vector<1x2000x16xf32>
    %get3A_83 = vector.shape_cast %get3A_82 : vector<1x2000x16xf32> to vector<2000x16xf32>
    %get3A_84 = arith.constant 1 : index
    %get3A_85 = arith.constant 0 : index
    %get3A_86 = arith.constant 0 : index
    %get3A_87 = vector.load %arg1[%get3A_84, %get3A_85, %get3A_86] : memref<8x2000x16xf32, #tpu.memory_space<vmem>>, vector<1x2000x16xf32>
    %get3A_88 = vector.shape_cast %get3A_87 : vector<1x2000x16xf32> to vector<2000x16xf32>
    %add3A = arith.addf %get3A_83, %get3A_88 : vector<2000x16xf32>
    %get3A_89 = arith.constant 2 : index
    %get3A_90 = arith.constant 0 : index
    %get3A_91 = arith.constant 0 : index
    %get3A_92 = vector.load %arg1[%get3A_89, %get3A_90, %get3A_91] : memref<8x2000x16xf32, #tpu.memory_space<vmem>>, vector<1x2000x16xf32>
    %get3A_93 = vector.shape_cast %get3A_92 : vector<1x2000x16xf32> to vector<2000x16xf32>
    %add3A_94 = arith.addf %add3A, %get3A_93 : vector<2000x16xf32>
    %get3A_95 = arith.constant 3 : index
    %get3A_96 = arith.constant 0 : index
    %get3A_97 = arith.constant 0 : index
    %get3A_98 = vector.load %arg1[%get3A_95, %get3A_96, %get3A_97] : memref<8x2000x16xf32, #tpu.memory_space<vmem>>, vector<1x2000x16xf32>
    %get3A_99 = vector.shape_cast %get3A_98 : vector<1x2000x16xf32> to vector<2000x16xf32>
    %add3A_100 = arith.addf %add3A_94, %get3A_99 : vector<2000x16xf32>
    %get3A_101 = arith.constant 4 : index
    %get3A_102 = arith.constant 0 : index
    %get3A_103 = arith.constant 0 : index
    %get3A_104 = vector.load %arg1[%get3A_101, %get3A_102, %get3A_103] : memref<8x2000x16xf32, #tpu.memory_space<vmem>>, vector<1x2000x16xf32>
    %get3A_105 = vector.shape_cast %get3A_104 : vector<1x2000x16xf32> to vector<2000x16xf32>
    %add3A_106 = arith.addf %add3A_100, %get3A_105 : vector<2000x16xf32>
    %get3A_107 = arith.constant 5 : index
    %get3A_108 = arith.constant 0 : index
    %get3A_109 = arith.constant 0 : index
    %get3A_110 = vector.load %arg1[%get3A_107, %get3A_108, %get3A_109] : memref<8x2000x16xf32, #tpu.memory_space<vmem>>, vector<1x2000x16xf32>
    %get3A_111 = vector.shape_cast %get3A_110 : vector<1x2000x16xf32> to vector<2000x16xf32>
    %add3A_112 = arith.addf %add3A_106, %get3A_111 : vector<2000x16xf32>
    %get3A_113 = arith.constant 6 : index
    %get3A_114 = arith.constant 0 : index
    %get3A_115 = arith.constant 0 : index
    %get3A_116 = vector.load %arg1[%get3A_113, %get3A_114, %get3A_115] : memref<8x2000x16xf32, #tpu.memory_space<vmem>>, vector<1x2000x16xf32>
    %get3A_117 = vector.shape_cast %get3A_116 : vector<1x2000x16xf32> to vector<2000x16xf32>
    %add3A_118 = arith.addf %add3A_112, %get3A_117 : vector<2000x16xf32>
    %get3A_119 = arith.constant 7 : index
    %get3A_120 = arith.constant 0 : index
    %get3A_121 = arith.constant 0 : index
    %get3A_122 = vector.load %arg1[%get3A_119, %get3A_120, %get3A_121] : memref<8x2000x16xf32, #tpu.memory_space<vmem>>, vector<1x2000x16xf32>
    %get3A_123 = vector.shape_cast %get3A_122 : vector<1x2000x16xf32> to vector<2000x16xf32>
    %add3A_124 = arith.addf %add3A_118, %get3A_123 : vector<2000x16xf32>
    %convert_element_type3A_125 = arith.truncf %add3A_124 : vector<2000x16xf32> to vector<2000x16xbf16>
    %dot_general3A_126 = arith.constant dense<0.000000e+00> : vector<2000x128xf32>
    %dot_general3A_127 = tpu.matmul %convert_element_type3A_125, %convert_element_type3A, %dot_general3A_126 {dimension_numbers = #tpu.dot_dimension_numbers<[1], [0], [0], [1], [0, 0, 1, 1], [], []>, transpose_lhs_hint = false} : vector<2000x16xbf16>, vector<16x128xbf16>, vector<2000x128xf32> -> vector<2000x128xf32>
    %mul3A_128 = arith.constant 1.250000e-01 : f32
    %mul3A_129 = vector.broadcast %mul3A_128 : f32 to vector<2000x128xf32>
    %mul3A_130 = arith.mulf %dot_general3A_127, %mul3A_129 : vector<2000x128xf32>
    %get3A_131 = arith.constant 0 : index
    %get3A_132 = arith.constant 0 : index
    %get3A_133 = vector.load %arg5[%get3A_131, %get3A_132] : memref<128x128xf32, #tpu.memory_space<vmem>>, vector<128x128xf32>
    %convert_element_type3A_134 = arith.truncf %get3A_133 : vector<128x128xf32> to vector<128x128xbf16>
    %sub3A = arith.subf %dot_general3A_22, %mul3A_130 : vector<2000x128xf32>
    %mul3A_135 = arith.mulf %sub3A, %sub3A : vector<2000x128xf32>
    %reduce_sum3A_136 = arith.constant dense<0.000000e+00> : vector<2000xf32>
    %reduce_sum3A_137 = vector.multi_reduction <add>, %mul3A_135, %reduce_sum3A_136 [1] : vector<2000x128xf32> to vector<2000xf32>
    %broadcast_in_dim3A_138 = vector.shape_cast %reduce_sum3A_137 : vector<2000xf32> to vector<2000x1xf32>
    %div3A = arith.constant 1.280000e+02 : f32
    %div3A_139 = vector.broadcast %div3A : f32 to vector<2000x1xf32>
    %div3A_140 = arith.divf %broadcast_in_dim3A_138, %div3A_139 : vector<2000x1xf32>
    %max3A = arith.constant 0.000000e+00 : f32
    %max3A_141 = vector.broadcast %max3A : f32 to vector<2000x128xf32>
    %max3A_142 = arith.maximumf %sub3A, %max3A_141 : vector<2000x128xf32>
    %convert_element_type3A_143 = arith.truncf %max3A_142 : vector<2000x128xf32> to vector<2000x128xbf16>
    %dot_general3A_144 = arith.constant dense<0.000000e+00> : vector<2000x128xf32>
    %dot_general3A_145 = tpu.matmul %convert_element_type3A_143, %convert_element_type3A_134, %dot_general3A_144 {dimension_numbers = #tpu.dot_dimension_numbers<[1], [0], [0], [1], [0, 0, 1, 1], [], []>, transpose_lhs_hint = false} : vector<2000x128xbf16>, vector<128x128xbf16>, vector<2000x128xf32> -> vector<2000x128xf32>
    %mul3A_146 = arith.mulf %dot_general3A_145, %dot_general3A_145 : vector<2000x128xf32>
    %reduce_sum3A_147 = arith.constant dense<0.000000e+00> : vector<2000xf32>
    %reduce_sum3A_148 = vector.multi_reduction <add>, %mul3A_146, %reduce_sum3A_147 [1] : vector<2000x128xf32> to vector<2000xf32>
    %broadcast_in_dim3A_149 = vector.shape_cast %reduce_sum3A_148 : vector<2000xf32> to vector<2000x1xf32>
    %div3A_150 = arith.constant 1.280000e+02 : f32
    %div3A_151 = vector.broadcast %div3A_150 : f32 to vector<2000x1xf32>
    %div3A_152 = arith.divf %broadcast_in_dim3A_149, %div3A_151 : vector<2000x1xf32>
    %add3A_153 = arith.constant 9.99999974E-6 : f32
    %add3A_154 = vector.broadcast %add3A_153 : f32 to vector<2000x1xf32>
    %add3A_155 = arith.addf %div3A_140, %add3A_154 : vector<2000x1xf32>
    %mul3A_156 = arith.constant 9.99999974E-6 : f32
    %mul3A_157 = vector.broadcast %mul3A_156 : f32 to vector<2000x1xf32>
    %mul3A_158 = arith.mulf %mul3A_157, %add3A_155 : vector<2000x1xf32>
    %add3A_159 = arith.addf %div3A_152, %mul3A_158 : vector<2000x1xf32>
    %rsqrt3A = math.rsqrt %add3A_159 : vector<2000x1xf32>
    %mul3A_160 = vector.broadcast %rsqrt3A : vector<2000x1xf32> to vector<2000x128xf32>
    %mul3A_161 = arith.mulf %dot_general3A_145, %mul3A_160 : vector<2000x128xf32>
    %sub3A_162 = arith.subf %dot_general3A_30, %mul3A_130 : vector<2000x128xf32>
    %mul3A_163 = arith.mulf %sub3A_162, %sub3A_162 : vector<2000x128xf32>
    %reduce_sum3A_164 = arith.constant dense<0.000000e+00> : vector<2000xf32>
    %reduce_sum3A_165 = vector.multi_reduction <add>, %mul3A_163, %reduce_sum3A_164 [1] : vector<2000x128xf32> to vector<2000xf32>
    %broadcast_in_dim3A_166 = vector.shape_cast %reduce_sum3A_165 : vector<2000xf32> to vector<2000x1xf32>
    %div3A_167 = arith.constant 1.280000e+02 : f32
    %div3A_168 = vector.broadcast %div3A_167 : f32 to vector<2000x1xf32>
    %div3A_169 = arith.divf %broadcast_in_dim3A_166, %div3A_168 : vector<2000x1xf32>
    %max3A_170 = arith.constant 0.000000e+00 : f32
    %max3A_171 = vector.broadcast %max3A_170 : f32 to vector<2000x128xf32>
    %max3A_172 = arith.maximumf %sub3A_162, %max3A_171 : vector<2000x128xf32>
    %convert_element_type3A_173 = arith.truncf %max3A_172 : vector<2000x128xf32> to vector<2000x128xbf16>
    %dot_general3A_174 = arith.constant dense<0.000000e+00> : vector<2000x128xf32>
    %dot_general3A_175 = tpu.matmul %convert_element_type3A_173, %convert_element_type3A_134, %dot_general3A_174 {dimension_numbers = #tpu.dot_dimension_numbers<[1], [0], [0], [1], [0, 0, 1, 1], [], []>, transpose_lhs_hint = false} : vector<2000x128xbf16>, vector<128x128xbf16>, vector<2000x128xf32> -> vector<2000x128xf32>
    %mul3A_176 = arith.mulf %dot_general3A_175, %dot_general3A_175 : vector<2000x128xf32>
    %reduce_sum3A_177 = arith.constant dense<0.000000e+00> : vector<2000xf32>
    %reduce_sum3A_178 = vector.multi_reduction <add>, %mul3A_176, %reduce_sum3A_177 [1] : vector<2000x128xf32> to vector<2000xf32>
    %broadcast_in_dim3A_179 = vector.shape_cast %reduce_sum3A_178 : vector<2000xf32> to vector<2000x1xf32>
    %div3A_180 = arith.constant 1.280000e+02 : f32
    %div3A_181 = vector.broadcast %div3A_180 : f32 to vector<2000x1xf32>
    %div3A_182 = arith.divf %broadcast_in_dim3A_179, %div3A_181 : vector<2000x1xf32>
    %add3A_183 = arith.constant 9.99999974E-6 : f32
    %add3A_184 = vector.broadcast %add3A_183 : f32 to vector<2000x1xf32>
    %add3A_185 = arith.addf %div3A_169, %add3A_184 : vector<2000x1xf32>
    %mul3A_186 = arith.constant 9.99999974E-6 : f32
    %mul3A_187 = vector.broadcast %mul3A_186 : f32 to vector<2000x1xf32>
    %mul3A_188 = arith.mulf %mul3A_187, %add3A_185 : vector<2000x1xf32>
    %add3A_189 = arith.addf %div3A_182, %mul3A_188 : vector<2000x1xf32>
    %rsqrt3A_190 = math.rsqrt %add3A_189 : vector<2000x1xf32>
    %mul3A_191 = vector.broadcast %rsqrt3A_190 : vector<2000x1xf32> to vector<2000x128xf32>
    %mul3A_192 = arith.mulf %dot_general3A_175, %mul3A_191 : vector<2000x128xf32>
    %add3A_193 = arith.addf %mul3A_161, %mul3A_192 : vector<2000x128xf32>
    %sub3A_194 = arith.subf %dot_general3A_38, %mul3A_130 : vector<2000x128xf32>
    %mul3A_195 = arith.mulf %sub3A_194, %sub3A_194 : vector<2000x128xf32>
    %reduce_sum3A_196 = arith.constant dense<0.000000e+00> : vector<2000xf32>
    %reduce_sum3A_197 = vector.multi_reduction <add>, %mul3A_195, %reduce_sum3A_196 [1] : vector<2000x128xf32> to vector<2000xf32>
    %broadcast_in_dim3A_198 = vector.shape_cast %reduce_sum3A_197 : vector<2000xf32> to vector<2000x1xf32>
    %div3A_199 = arith.constant 1.280000e+02 : f32
    %div3A_200 = vector.broadcast %div3A_199 : f32 to vector<2000x1xf32>
    %div3A_201 = arith.divf %broadcast_in_dim3A_198, %div3A_200 : vector<2000x1xf32>
    %max3A_202 = arith.constant 0.000000e+00 : f32
    %max3A_203 = vector.broadcast %max3A_202 : f32 to vector<2000x128xf32>
    %max3A_204 = arith.maximumf %sub3A_194, %max3A_203 : vector<2000x128xf32>
    %convert_element_type3A_205 = arith.truncf %max3A_204 : vector<2000x128xf32> to vector<2000x128xbf16>
    %dot_general3A_206 = arith.constant dense<0.000000e+00> : vector<2000x128xf32>
    %dot_general3A_207 = tpu.matmul %convert_element_type3A_205, %convert_element_type3A_134, %dot_general3A_206 {dimension_numbers = #tpu.dot_dimension_numbers<[1], [0], [0], [1], [0, 0, 1, 1], [], []>, transpose_lhs_hint = false} : vector<2000x128xbf16>, vector<128x128xbf16>, vector<2000x128xf32> -> vector<2000x128xf32>
    %mul3A_208 = arith.mulf %dot_general3A_207, %dot_general3A_207 : vector<2000x128xf32>
    %reduce_sum3A_209 = arith.constant dense<0.000000e+00> : vector<2000xf32>
    %reduce_sum3A_210 = vector.multi_reduction <add>, %mul3A_208, %reduce_sum3A_209 [1] : vector<2000x128xf32> to vector<2000xf32>
    %broadcast_in_dim3A_211 = vector.shape_cast %reduce_sum3A_210 : vector<2000xf32> to vector<2000x1xf32>
    %div3A_212 = arith.constant 1.280000e+02 : f32
    %div3A_213 = vector.broadcast %div3A_212 : f32 to vector<2000x1xf32>
    %div3A_214 = arith.divf %broadcast_in_dim3A_211, %div3A_213 : vector<2000x1xf32>
    %add3A_215 = arith.constant 9.99999974E-6 : f32
    %add3A_216 = vector.broadcast %add3A_215 : f32 to vector<2000x1xf32>
    %add3A_217 = arith.addf %div3A_201, %add3A_216 : vector<2000x1xf32>
    %mul3A_218 = arith.constant 9.99999974E-6 : f32
    %mul3A_219 = vector.broadcast %mul3A_218 : f32 to vector<2000x1xf32>
    %mul3A_220 = arith.mulf %mul3A_219, %add3A_217 : vector<2000x1xf32>
    %add3A_221 = arith.addf %div3A_214, %mul3A_220 : vector<2000x1xf32>
    %rsqrt3A_222 = math.rsqrt %add3A_221 : vector<2000x1xf32>
    %mul3A_223 = vector.broadcast %rsqrt3A_222 : vector<2000x1xf32> to vector<2000x128xf32>
    %mul3A_224 = arith.mulf %dot_general3A_207, %mul3A_223 : vector<2000x128xf32>
    %add3A_225 = arith.addf %add3A_193, %mul3A_224 : vector<2000x128xf32>
    %sub3A_226 = arith.subf %dot_general3A_46, %mul3A_130 : vector<2000x128xf32>
    %mul3A_227 = arith.mulf %sub3A_226, %sub3A_226 : vector<2000x128xf32>
    %reduce_sum3A_228 = arith.constant dense<0.000000e+00> : vector<2000xf32>
    %reduce_sum3A_229 = vector.multi_reduction <add>, %mul3A_227, %reduce_sum3A_228 [1] : vector<2000x128xf32> to vector<2000xf32>
    %broadcast_in_dim3A_230 = vector.shape_cast %reduce_sum3A_229 : vector<2000xf32> to vector<2000x1xf32>
    %div3A_231 = arith.constant 1.280000e+02 : f32
    %div3A_232 = vector.broadcast %div3A_231 : f32 to vector<2000x1xf32>
    %div3A_233 = arith.divf %broadcast_in_dim3A_230, %div3A_232 : vector<2000x1xf32>
    %max3A_234 = arith.constant 0.000000e+00 : f32
    %max3A_235 = vector.broadcast %max3A_234 : f32 to vector<2000x128xf32>
    %max3A_236 = arith.maximumf %sub3A_226, %max3A_235 : vector<2000x128xf32>
    %convert_element_type3A_237 = arith.truncf %max3A_236 : vector<2000x128xf32> to vector<2000x128xbf16>
    %dot_general3A_238 = arith.constant dense<0.000000e+00> : vector<2000x128xf32>
    %dot_general3A_239 = tpu.matmul %convert_element_type3A_237, %convert_element_type3A_134, %dot_general3A_238 {dimension_numbers = #tpu.dot_dimension_numbers<[1], [0], [0], [1], [0, 0, 1, 1], [], []>, transpose_lhs_hint = false} : vector<2000x128xbf16>, vector<128x128xbf16>, vector<2000x128xf32> -> vector<2000x128xf32>
    %mul3A_240 = arith.mulf %dot_general3A_239, %dot_general3A_239 : vector<2000x128xf32>
    %reduce_sum3A_241 = arith.constant dense<0.000000e+00> : vector<2000xf32>
    %reduce_sum3A_242 = vector.multi_reduction <add>, %mul3A_240, %reduce_sum3A_241 [1] : vector<2000x128xf32> to vector<2000xf32>
    %broadcast_in_dim3A_243 = vector.shape_cast %reduce_sum3A_242 : vector<2000xf32> to vector<2000x1xf32>
    %div3A_244 = arith.constant 1.280000e+02 : f32
    %div3A_245 = vector.broadcast %div3A_244 : f32 to vector<2000x1xf32>
    %div3A_246 = arith.divf %broadcast_in_dim3A_243, %div3A_245 : vector<2000x1xf32>
    %add3A_247 = arith.constant 9.99999974E-6 : f32
    %add3A_248 = vector.broadcast %add3A_247 : f32 to vector<2000x1xf32>
    %add3A_249 = arith.addf %div3A_233, %add3A_248 : vector<2000x1xf32>
    %mul3A_250 = arith.constant 9.99999974E-6 : f32
    %mul3A_251 = vector.broadcast %mul3A_250 : f32 to vector<2000x1xf32>
    %mul3A_252 = arith.mulf %mul3A_251, %add3A_249 : vector<2000x1xf32>
    %add3A_253 = arith.addf %div3A_246, %mul3A_252 : vector<2000x1xf32>
    %rsqrt3A_254 = math.rsqrt %add3A_253 : vector<2000x1xf32>
    %mul3A_255 = vector.broadcast %rsqrt3A_254 : vector<2000x1xf32> to vector<2000x128xf32>
    %mul3A_256 = arith.mulf %dot_general3A_239, %mul3A_255 : vector<2000x128xf32>
    %add3A_257 = arith.addf %add3A_225, %mul3A_256 : vector<2000x128xf32>
    %sub3A_258 = arith.subf %dot_general3A_54, %mul3A_130 : vector<2000x128xf32>
    %mul3A_259 = arith.mulf %sub3A_258, %sub3A_258 : vector<2000x128xf32>
    %reduce_sum3A_260 = arith.constant dense<0.000000e+00> : vector<2000xf32>
    %reduce_sum3A_261 = vector.multi_reduction <add>, %mul3A_259, %reduce_sum3A_260 [1] : vector<2000x128xf32> to vector<2000xf32>
    %broadcast_in_dim3A_262 = vector.shape_cast %reduce_sum3A_261 : vector<2000xf32> to vector<2000x1xf32>
    %div3A_263 = arith.constant 1.280000e+02 : f32
    %div3A_264 = vector.broadcast %div3A_263 : f32 to vector<2000x1xf32>
    %div3A_265 = arith.divf %broadcast_in_dim3A_262, %div3A_264 : vector<2000x1xf32>
    %max3A_266 = arith.constant 0.000000e+00 : f32
    %max3A_267 = vector.broadcast %max3A_266 : f32 to vector<2000x128xf32>
    %max3A_268 = arith.maximumf %sub3A_258, %max3A_267 : vector<2000x128xf32>
    %convert_element_type3A_269 = arith.truncf %max3A_268 : vector<2000x128xf32> to vector<2000x128xbf16>
    %dot_general3A_270 = arith.constant dense<0.000000e+00> : vector<2000x128xf32>
    %dot_general3A_271 = tpu.matmul %convert_element_type3A_269, %convert_element_type3A_134, %dot_general3A_270 {dimension_numbers = #tpu.dot_dimension_numbers<[1], [0], [0], [1], [0, 0, 1, 1], [], []>, transpose_lhs_hint = false} : vector<2000x128xbf16>, vector<128x128xbf16>, vector<2000x128xf32> -> vector<2000x128xf32>
    %mul3A_272 = arith.mulf %dot_general3A_271, %dot_general3A_271 : vector<2000x128xf32>
    %reduce_sum3A_273 = arith.constant dense<0.000000e+00> : vector<2000xf32>
    %reduce_sum3A_274 = vector.multi_reduction <add>, %mul3A_272, %reduce_sum3A_273 [1] : vector<2000x128xf32> to vector<2000xf32>
    %broadcast_in_dim3A_275 = vector.shape_cast %reduce_sum3A_274 : vector<2000xf32> to vector<2000x1xf32>
    %div3A_276 = arith.constant 1.280000e+02 : f32
    %div3A_277 = vector.broadcast %div3A_276 : f32 to vector<2000x1xf32>
    %div3A_278 = arith.divf %broadcast_in_dim3A_275, %div3A_277 : vector<2000x1xf32>
    %add3A_279 = arith.constant 9.99999974E-6 : f32
    %add3A_280 = vector.broadcast %add3A_279 : f32 to vector<2000x1xf32>
    %add3A_281 = arith.addf %div3A_265, %add3A_280 : vector<2000x1xf32>
    %mul3A_282 = arith.constant 9.99999974E-6 : f32
    %mul3A_283 = vector.broadcast %mul3A_282 : f32 to vector<2000x1xf32>
    %mul3A_284 = arith.mulf %mul3A_283, %add3A_281 : vector<2000x1xf32>
    %add3A_285 = arith.addf %div3A_278, %mul3A_284 : vector<2000x1xf32>
    %rsqrt3A_286 = math.rsqrt %add3A_285 : vector<2000x1xf32>
    %mul3A_287 = vector.broadcast %rsqrt3A_286 : vector<2000x1xf32> to vector<2000x128xf32>
    %mul3A_288 = arith.mulf %dot_general3A_271, %mul3A_287 : vector<2000x128xf32>
    %add3A_289 = arith.addf %add3A_257, %mul3A_288 : vector<2000x128xf32>
    %sub3A_290 = arith.subf %dot_general3A_62, %mul3A_130 : vector<2000x128xf32>
    %mul3A_291 = arith.mulf %sub3A_290, %sub3A_290 : vector<2000x128xf32>
    %reduce_sum3A_292 = arith.constant dense<0.000000e+00> : vector<2000xf32>
    %reduce_sum3A_293 = vector.multi_reduction <add>, %mul3A_291, %reduce_sum3A_292 [1] : vector<2000x128xf32> to vector<2000xf32>
    %broadcast_in_dim3A_294 = vector.shape_cast %reduce_sum3A_293 : vector<2000xf32> to vector<2000x1xf32>
    %div3A_295 = arith.constant 1.280000e+02 : f32
    %div3A_296 = vector.broadcast %div3A_295 : f32 to vector<2000x1xf32>
    %div3A_297 = arith.divf %broadcast_in_dim3A_294, %div3A_296 : vector<2000x1xf32>
    %max3A_298 = arith.constant 0.000000e+00 : f32
    %max3A_299 = vector.broadcast %max3A_298 : f32 to vector<2000x128xf32>
    %max3A_300 = arith.maximumf %sub3A_290, %max3A_299 : vector<2000x128xf32>
    %convert_element_type3A_301 = arith.truncf %max3A_300 : vector<2000x128xf32> to vector<2000x128xbf16>
    %dot_general3A_302 = arith.constant dense<0.000000e+00> : vector<2000x128xf32>
    %dot_general3A_303 = tpu.matmul %convert_element_type3A_301, %convert_element_type3A_134, %dot_general3A_302 {dimension_numbers = #tpu.dot_dimension_numbers<[1], [0], [0], [1], [0, 0, 1, 1], [], []>, transpose_lhs_hint = false} : vector<2000x128xbf16>, vector<128x128xbf16>, vector<2000x128xf32> -> vector<2000x128xf32>
    %mul3A_304 = arith.mulf %dot_general3A_303, %dot_general3A_303 : vector<2000x128xf32>
    %reduce_sum3A_305 = arith.constant dense<0.000000e+00> : vector<2000xf32>
    %reduce_sum3A_306 = vector.multi_reduction <add>, %mul3A_304, %reduce_sum3A_305 [1] : vector<2000x128xf32> to vector<2000xf32>
    %broadcast_in_dim3A_307 = vector.shape_cast %reduce_sum3A_306 : vector<2000xf32> to vector<2000x1xf32>
    %div3A_308 = arith.constant 1.280000e+02 : f32
    %div3A_309 = vector.broadcast %div3A_308 : f32 to vector<2000x1xf32>
    %div3A_310 = arith.divf %broadcast_in_dim3A_307, %div3A_309 : vector<2000x1xf32>
    %add3A_311 = arith.constant 9.99999974E-6 : f32
    %add3A_312 = vector.broadcast %add3A_311 : f32 to vector<2000x1xf32>
    %add3A_313 = arith.addf %div3A_297, %add3A_312 : vector<2000x1xf32>
    %mul3A_314 = arith.constant 9.99999974E-6 : f32
    %mul3A_315 = vector.broadcast %mul3A_314 : f32 to vector<2000x1xf32>
    %mul3A_316 = arith.mulf %mul3A_315, %add3A_313 : vector<2000x1xf32>
    %add3A_317 = arith.addf %div3A_310, %mul3A_316 : vector<2000x1xf32>
    %rsqrt3A_318 = math.rsqrt %add3A_317 : vector<2000x1xf32>
    %mul3A_319 = vector.broadcast %rsqrt3A_318 : vector<2000x1xf32> to vector<2000x128xf32>
    %mul3A_320 = arith.mulf %dot_general3A_303, %mul3A_319 : vector<2000x128xf32>
    %add3A_321 = arith.addf %add3A_289, %mul3A_320 : vector<2000x128xf32>
    %sub3A_322 = arith.subf %dot_general3A_70, %mul3A_130 : vector<2000x128xf32>
    %mul3A_323 = arith.mulf %sub3A_322, %sub3A_322 : vector<2000x128xf32>
    %reduce_sum3A_324 = arith.constant dense<0.000000e+00> : vector<2000xf32>
    %reduce_sum3A_325 = vector.multi_reduction <add>, %mul3A_323, %reduce_sum3A_324 [1] : vector<2000x128xf32> to vector<2000xf32>
    %broadcast_in_dim3A_326 = vector.shape_cast %reduce_sum3A_325 : vector<2000xf32> to vector<2000x1xf32>
    %div3A_327 = arith.constant 1.280000e+02 : f32
    %div3A_328 = vector.broadcast %div3A_327 : f32 to vector<2000x1xf32>
    %div3A_329 = arith.divf %broadcast_in_dim3A_326, %div3A_328 : vector<2000x1xf32>
    %max3A_330 = arith.constant 0.000000e+00 : f32
    %max3A_331 = vector.broadcast %max3A_330 : f32 to vector<2000x128xf32>
    %max3A_332 = arith.maximumf %sub3A_322, %max3A_331 : vector<2000x128xf32>
    %convert_element_type3A_333 = arith.truncf %max3A_332 : vector<2000x128xf32> to vector<2000x128xbf16>
    %dot_general3A_334 = arith.constant dense<0.000000e+00> : vector<2000x128xf32>
    %dot_general3A_335 = tpu.matmul %convert_element_type3A_333, %convert_element_type3A_134, %dot_general3A_334 {dimension_numbers = #tpu.dot_dimension_numbers<[1], [0], [0], [1], [0, 0, 1, 1], [], []>, transpose_lhs_hint = false} : vector<2000x128xbf16>, vector<128x128xbf16>, vector<2000x128xf32> -> vector<2000x128xf32>
    %mul3A_336 = arith.mulf %dot_general3A_335, %dot_general3A_335 : vector<2000x128xf32>
    %reduce_sum3A_337 = arith.constant dense<0.000000e+00> : vector<2000xf32>
    %reduce_sum3A_338 = vector.multi_reduction <add>, %mul3A_336, %reduce_sum3A_337 [1] : vector<2000x128xf32> to vector<2000xf32>
    %broadcast_in_dim3A_339 = vector.shape_cast %reduce_sum3A_338 : vector<2000xf32> to vector<2000x1xf32>
    %div3A_340 = arith.constant 1.280000e+02 : f32
    %div3A_341 = vector.broadcast %div3A_340 : f32 to vector<2000x1xf32>
    %div3A_342 = arith.divf %broadcast_in_dim3A_339, %div3A_341 : vector<2000x1xf32>
    %add3A_343 = arith.constant 9.99999974E-6 : f32
    %add3A_344 = vector.broadcast %add3A_343 : f32 to vector<2000x1xf32>
    %add3A_345 = arith.addf %div3A_329, %add3A_344 : vector<2000x1xf32>
    %mul3A_346 = arith.constant 9.99999974E-6 : f32
    %mul3A_347 = vector.broadcast %mul3A_346 : f32 to vector<2000x1xf32>
    %mul3A_348 = arith.mulf %mul3A_347, %add3A_345 : vector<2000x1xf32>
    %add3A_349 = arith.addf %div3A_342, %mul3A_348 : vector<2000x1xf32>
    %rsqrt3A_350 = math.rsqrt %add3A_349 : vector<2000x1xf32>
    %mul3A_351 = vector.broadcast %rsqrt3A_350 : vector<2000x1xf32> to vector<2000x128xf32>
    %mul3A_352 = arith.mulf %dot_general3A_335, %mul3A_351 : vector<2000x128xf32>
    %add3A_353 = arith.addf %add3A_321, %mul3A_352 : vector<2000x128xf32>
    %sub3A_354 = arith.subf %dot_general3A_78, %mul3A_130 : vector<2000x128xf32>
    %mul3A_355 = arith.mulf %sub3A_354, %sub3A_354 : vector<2000x128xf32>
    %reduce_sum3A_356 = arith.constant dense<0.000000e+00> : vector<2000xf32>
    %reduce_sum3A_357 = vector.multi_reduction <add>, %mul3A_355, %reduce_sum3A_356 [1] : vector<2000x128xf32> to vector<2000xf32>
    %broadcast_in_dim3A_358 = vector.shape_cast %reduce_sum3A_357 : vector<2000xf32> to vector<2000x1xf32>
    %div3A_359 = arith.constant 1.280000e+02 : f32
    %div3A_360 = vector.broadcast %div3A_359 : f32 to vector<2000x1xf32>
    %div3A_361 = arith.divf %broadcast_in_dim3A_358, %div3A_360 : vector<2000x1xf32>
    %max3A_362 = arith.constant 0.000000e+00 : f32
    %max3A_363 = vector.broadcast %max3A_362 : f32 to vector<2000x128xf32>
    %max3A_364 = arith.maximumf %sub3A_354, %max3A_363 : vector<2000x128xf32>
    %convert_element_type3A_365 = arith.truncf %max3A_364 : vector<2000x128xf32> to vector<2000x128xbf16>
    %dot_general3A_366 = arith.constant dense<0.000000e+00> : vector<2000x128xf32>
    %dot_general3A_367 = tpu.matmul %convert_element_type3A_365, %convert_element_type3A_134, %dot_general3A_366 {dimension_numbers = #tpu.dot_dimension_numbers<[1], [0], [0], [1], [0, 0, 1, 1], [], []>, transpose_lhs_hint = false} : vector<2000x128xbf16>, vector<128x128xbf16>, vector<2000x128xf32> -> vector<2000x128xf32>
    %mul3A_368 = arith.mulf %dot_general3A_367, %dot_general3A_367 : vector<2000x128xf32>
    %reduce_sum3A_369 = arith.constant dense<0.000000e+00> : vector<2000xf32>
    %reduce_sum3A_370 = vector.multi_reduction <add>, %mul3A_368, %reduce_sum3A_369 [1] : vector<2000x128xf32> to vector<2000xf32>
    %broadcast_in_dim3A_371 = vector.shape_cast %reduce_sum3A_370 : vector<2000xf32> to vector<2000x1xf32>
    %div3A_372 = arith.constant 1.280000e+02 : f32
    %div3A_373 = vector.broadcast %div3A_372 : f32 to vector<2000x1xf32>
    %div3A_374 = arith.divf %broadcast_in_dim3A_371, %div3A_373 : vector<2000x1xf32>
    %add3A_375 = arith.constant 9.99999974E-6 : f32
    %add3A_376 = vector.broadcast %add3A_375 : f32 to vector<2000x1xf32>
    %add3A_377 = arith.addf %div3A_361, %add3A_376 : vector<2000x1xf32>
    %mul3A_378 = arith.constant 9.99999974E-6 : f32
    %mul3A_379 = vector.broadcast %mul3A_378 : f32 to vector<2000x1xf32>
    %mul3A_380 = arith.mulf %mul3A_379, %add3A_377 : vector<2000x1xf32>
    %add3A_381 = arith.addf %div3A_374, %mul3A_380 : vector<2000x1xf32>
    %rsqrt3A_382 = math.rsqrt %add3A_381 : vector<2000x1xf32>
    %mul3A_383 = vector.broadcast %rsqrt3A_382 : vector<2000x1xf32> to vector<2000x128xf32>
    %mul3A_384 = arith.mulf %dot_general3A_367, %mul3A_383 : vector<2000x128xf32>
    %add3A_385 = arith.addf %add3A_353, %mul3A_384 : vector<2000x128xf32>
    %mul3A_386 = arith.constant 1.250000e-01 : f32
    %mul3A_387 = vector.broadcast %mul3A_386 : f32 to vector<2000x128xf32>
    %mul3A_388 = arith.mulf %add3A_385, %mul3A_387 : vector<2000x128xf32>
    %convert_element_type3A_389 = arith.truncf %mul3A_388 : vector<2000x128xf32> to vector<2000x128xbf16>
    %get3A_390 = arith.constant 0 : index
    %get3A_391 = arith.constant 0 : index
    %get3A_392 = vector.load %arg6[%get3A_390, %get3A_391] : memref<128x128xf32, #tpu.memory_space<vmem>>, vector<128x128xf32>
    %convert_element_type3A_393 = arith.truncf %get3A_392 : vector<128x128xf32> to vector<128x128xbf16>
    %dot_general3A_394 = arith.constant dense<0.000000e+00> : vector<2000x128xf32>
    %dot_general3A_395 = tpu.matmul %convert_element_type3A_389, %convert_element_type3A_393, %dot_general3A_394 {dimension_numbers = #tpu.dot_dimension_numbers<[1], [0], [0], [1], [0, 0, 1, 1], [], []>, transpose_lhs_hint = false} : vector<2000x128xbf16>, vector<128x128xbf16>, vector<2000x128xf32> -> vector<2000x128xf32>
    %get3A_396 = arith.constant 0 : index
    %get3A_397 = arith.constant 0 : index
    %get3A_398 = vector.load %arg7[%get3A_396, %get3A_397] : memref<1x128xf32, #tpu.memory_space<vmem>>, vector<1x128xf32>
    %add3A_399 = vector.broadcast %get3A_398 : vector<1x128xf32> to vector<2000x128xf32>
    %add3A_400 = arith.addf %dot_general3A_395, %add3A_399 : vector<2000x128xf32>
    %max3A_401 = arith.constant 0.000000e+00 : f32
    %max3A_402 = vector.broadcast %max3A_401 : f32 to vector<2000x128xf32>
    %max3A_403 = arith.maximumf %add3A_400, %max3A_402 : vector<2000x128xf32>
    %get3A_404 = arith.constant 0 : index
    %get3A_405 = arith.constant 0 : index
    %get3A_406 = vector.load %arg8[%get3A_404, %get3A_405] : memref<1x128xf32, #tpu.memory_space<vmem>>, vector<1x128xf32>
    %mul3A_407 = vector.broadcast %get3A_406 : vector<1x128xf32> to vector<2000x128xf32>
    %mul3A_408 = arith.mulf %max3A_403, %mul3A_407 : vector<2000x128xf32>
    %reduce_sum3A_409 = arith.constant dense<0.000000e+00> : vector<2000xf32>
    %reduce_sum3A_410 = vector.multi_reduction <add>, %mul3A_408, %reduce_sum3A_409 [1] : vector<2000x128xf32> to vector<2000xf32>
    %broadcast_in_dim3A_411 = vector.shape_cast %reduce_sum3A_410 : vector<2000xf32> to vector<2000x1xf32>
    %max3A_412 = arith.constant 0.000000e+00 : f32
    %max3A_413 = vector.broadcast %max3A_412 : f32 to vector<2000x1xf32>
    %max3A_414 = arith.maximumf %broadcast_in_dim3A_411, %max3A_413 : vector<2000x1xf32>
    %abs3A = math.absf %broadcast_in_dim3A_411 : vector<2000x1xf32>
    %neg3A = arith.constant 0.000000e+00 : f32
    %neg3A_415 = vector.broadcast %neg3A : f32 to vector<2000x1xf32>
    %neg3A_416 = arith.subf %neg3A_415, %abs3A : vector<2000x1xf32>
    %exp3A = math.exp %neg3A_416 : vector<2000x1xf32>
    %add3A_417 = arith.constant 1.000000e+00 : f32
    %add3A_418 = vector.broadcast %add3A_417 : f32 to vector<2000x1xf32>
    %add3A_419 = arith.addf %add3A_418, %exp3A : vector<2000x1xf32>
    %log3A = math.log %add3A_419 : vector<2000x1xf32>
    %add3A_420 = arith.addf %max3A_414, %log3A : vector<2000x1xf32>
    %reduce_sum3A_421 = vector.shape_cast %add3A_420 : vector<2000x1xf32> to vector<1x2000x1xf32>
    %reduce_sum3A_422 = arith.constant dense<0.000000e+00> : vector<1xf32>
    %reduce_sum3A_423 = vector.multi_reduction <add>, %reduce_sum3A_421, %reduce_sum3A_422 [1, 2] : vector<1x2000x1xf32> to vector<1xf32>
    %reduce_sum3A_424 = vector.shape_cast %reduce_sum3A_423 : vector<1xf32> to vector<1x1x1xf32>
    %reduce_sum3A_425 = vector.extract %reduce_sum3A_424[0, 0, 0] : f32 from vector<1x1x1xf32>
    %broadcast_in_dim3A_426 = vector.broadcast %reduce_sum3A_425 : f32 to vector<1x1xf32>
    %eq3A = arith.constant 0 : i32
    %eq3A_427 = arith.cmpi eq, %arg0, %eq3A : i32
    %convert_element_type3A_428 = arith.extui %eq3A_427 : i1 to i32
    %cond3A = arith.constant 0 : i32
    %cond3A_429 = arith.cmpi ne, %convert_element_type3A_428, %cond3A : i32
    scf.if %cond3A_429 {
      %swap3A = arith.constant 0 : index
      %swap3A_434 = arith.constant 0 : index
      %swap3A_435 = vector.load %arg9[%swap3A, %swap3A_434] : memref<1x1xf32, #tpu.memory_space<vmem>>, vector<1x1xf32>
      tpu.vector_store %arg9[%swap3A, %swap3A_434], %mul3A_12 {strides = array<i32>} : memref<1x1xf32, #tpu.memory_space<vmem>>, vector<1x1xf32>,
      %swap3A_436 = arith.constant 0 : index
      %swap3A_437 = arith.constant 0 : index
      %swap3A_438 = vector.load %arg10[%swap3A_436, %swap3A_437] : memref<1x1xf32, #tpu.memory_space<vmem>>, vector<1x1xf32>
      tpu.vector_store %arg10[%swap3A_436, %swap3A_437], %broadcast_in_dim3A_426 {strides = array<i32>} : memref<1x1xf32, #tpu.memory_space<vmem>>, vector<1x1xf32>,
    } else {
    }
    %ne3A = arith.constant 0 : i32
    %ne3A_430 = arith.cmpi ne, %arg0, %ne3A : i32
    %convert_element_type3A_431 = arith.extui %ne3A_430 : i1 to i32
    %cond3A_432 = arith.constant 0 : i32
    %cond3A_433 = arith.cmpi ne, %convert_element_type3A_431, %cond3A_432 : i32
    scf.if %cond3A_433 {
      %get3A_434 = arith.constant 0 : index
      %get3A_435 = arith.constant 0 : index
      %get3A_436 = vector.load %arg9[%get3A_434, %get3A_435] : memref<1x1xf32, #tpu.memory_space<vmem>>, vector<1x1xf32>
      %add3A_437 = arith.addf %get3A_436, %mul3A_12 : vector<1x1xf32>
      %swap3A = arith.constant 0 : index
      %swap3A_438 = arith.constant 0 : index
      %swap3A_439 = vector.load %arg9[%swap3A, %swap3A_438] : memref<1x1xf32, #tpu.memory_space<vmem>>, vector<1x1xf32>
      tpu.vector_store %arg9[%swap3A, %swap3A_438], %add3A_437 {strides = array<i32>} : memref<1x1xf32, #tpu.memory_space<vmem>>, vector<1x1xf32>,
      %get3A_440 = arith.constant 0 : index
      %get3A_441 = arith.constant 0 : index
      %get3A_442 = vector.load %arg10[%get3A_440, %get3A_441] : memref<1x1xf32, #tpu.memory_space<vmem>>, vector<1x1xf32>
      %add3A_443 = arith.addf %get3A_442, %broadcast_in_dim3A_426 : vector<1x1xf32>
      %swap3A_444 = arith.constant 0 : index
      %swap3A_445 = arith.constant 0 : index
      %swap3A_446 = vector.load %arg10[%swap3A_444, %swap3A_445] : memref<1x1xf32, #tpu.memory_space<vmem>>, vector<1x1xf32>
      tpu.vector_store %arg10[%swap3A_444, %swap3A_445], %add3A_443 {strides = array<i32>} : memref<1x1xf32, #tpu.memory_space<vmem>>, vector<1x1xf32>,
    } else {
    }
    return
  }
  func.func @transform_0(%arg0: i32) -> (i32, i32, i32) {
    %c0_i32 = arith.constant 0 : i32
    %c0_i32_0 = arith.constant 0 : i32
    %c0_i32_1 = arith.constant 0 : i32
    return %c0_i32, %arg0, %c0_i32_0 : i32, i32, i32
  }
  func.func @transform_1(%arg0: i32) -> (i32, i32) {
    %c0_i32 = arith.constant 0 : i32
    %c0_i32_0 = arith.constant 0 : i32
    return %arg0, %c0_i32 : i32, i32
  }
  func.func @transform_2(%arg0: i32) -> (i32, i32) {
    %c0_i32 = arith.constant 0 : i32
    %c0_i32_0 = arith.constant 0 : i32
    return %arg0, %c0_i32 : i32, i32
  }
  func.func @transform_3(%arg0: i32) -> (i32, i32) {
    %c0_i32 = arith.constant 0 : i32
    %c0_i32_0 = arith.constant 0 : i32
    %c0_i32_1 = arith.constant 0 : i32
    return %c0_i32, %c0_i32_0 : i32, i32
  }
  func.func @transform_4(%arg0: i32) -> (i32, i32) {
    %c0_i32 = arith.constant 0 : i32
    %c0_i32_0 = arith.constant 0 : i32
    %c0_i32_1 = arith.constant 0 : i32
    return %c0_i32, %c0_i32_0 : i32, i32
  }
  func.func @transform_5(%arg0: i32) -> (i32, i32) {
    %c0_i32 = arith.constant 0 : i32
    %c0_i32_0 = arith.constant 0 : i32
    %c0_i32_1 = arith.constant 0 : i32
    return %c0_i32, %c0_i32_0 : i32, i32
  }
  func.func @transform_6(%arg0: i32) -> (i32, i32) {
    %c0_i32 = arith.constant 0 : i32
    %c0_i32_0 = arith.constant 0 : i32
    %c0_i32_1 = arith.constant 0 : i32
    return %c0_i32, %c0_i32_0 : i32, i32
  }
  func.func @transform_7(%arg0: i32) -> (i32, i32) {
    %c0_i32 = arith.constant 0 : i32
    %c0_i32_0 = arith.constant 0 : i32
    %c0_i32_1 = arith.constant 0 : i32
    return %c0_i32, %c0_i32_0 : i32, i32
  }
  func.func @transform_8(%arg0: i32) -> (i32, i32) {
    %c0_i32 = arith.constant 0 : i32
    %c0_i32_0 = arith.constant 0 : i32
    %c0_i32_1 = arith.constant 0 : i32
    return %c0_i32, %c0_i32_0 : i32, i32
  }
  func.func @transform_9(%arg0: i32) -> (i32, i32) {
    %c0_i32 = arith.constant 0 : i32
    %c0_i32_0 = arith.constant 0 : i32
    %c0_i32_1 = arith.constant 0 : i32
    return %c0_i32, %c0_i32_0 : i32, i32
  }
}

</mosaic_0001>

<sc_bundles>
// kernel: kernel.4.cloned.1.call-start
scs
__scs_entry_jumppad:
0x0: {  	(pc) =	sbr.rel $0x88, $3  }
0x1: {  	(tag) =	ssettag $0x0;
	lr =	simm.s32 $0x1  }
0x2: {  	[smem:$0x3F97] =	sst lr;
	_ =	strace $0xD0000000  }
0x3: {  	_ = 	snop  }
0x4: {  	_ = 	snop  }
0x5: {  	_ = 	snop  }
0x6: {  	_ = 	snop  }
0x7: {  	_ = 	snop  }
__scs_overlays_trampoline_lowered:
0x8: {  	[smem:$0x3FA6] =	sst s0  }
0x9: {  	[smem:$0x3FA7] =	sst s1  }
0xa: {  	[smem:$0x3FA8] =	sst s2  }
0xb: {  	[smem:$0x3FA9] =	sst s3  }
0xc: {  	[smem:$0x3FAA] =	sst s4  }
0xd: {  	[smem:$0x3FAB] =	sst s5  }
0xe: {  	[smem:$0x3FAC] =	sst s6  }
0xf: {  	[smem:$0x3FAD] =	sst s7  }
0x10: {  	[smem:$0x3FAE] =	sst s8  }
0x11: {  	[smem:$0x3FAF] =	sst s9;
	s0 =	simm.s32 @!p0 $0x0  }
0x12: {  	s1 =	sld [smem:$0x3F95];
	s0 =	simm.s32 @p0 $0x1  }
0x13: {  	[smem:$0x3FB0] =	sst s0;
	s0 =	simm.s32 @!p1 $0x0  }
0x14: {  	s2 =	sld [smem:$0x3F94];
	s0 =	simm.s32 @p1 $0x1  }
0x15: {  	[smem:$0x3FB1] =	sst s0;
	s0 =	simm.s32 @!p2 $0x0  }
0x16: {  	s3 =	sld [smem:$0x3FDB];
	s0 =	simm.s32 @p2 $0x1  }
0x17: {  	s4 =	simm.s32 $0x1BF5;
	[smem:$0x3FB3] =	sst s0  }
0x18: {  	s0 =	sld [smem:$0x3F96];
	_ =	swait.ge [sflag:s4], $0x0  }
0x19: {  	s7 =	sld [smem:$0x3F97]  }
0x1a: {  	s8 =	sadd.s32 $0xFFFFE003, lr  }
0x1b: {  	s9 =	sadd.s32 $0xFFFFFEF7, lr;
	s5 =	simm.s32 $0xFFFFFFFF;
	p2 =	slt.u32 s8, $0xFFFFF086  }
0x1c: {  	p1 =	slt.u32 s9, $0xF7A;
	s5 =	simm.s32 @!p2 $0x0  }
0x1d: {  	s5 =	simm.s32 @p1 $0x1;
	p0 =	seq.s32 s7, s2  }
0x1e: {  	s7 =	smul.u32 @!p0 $0xF7A, s2;
	p2 =	seq.s32 @!p0 s5, $0x0  }
0x1f: {  	s9 =	smul.u32 $0xF7A, s1;
	s8 =	simm.s32 @!p0 $0x1BF5;
	p2 =	por !p2, p0  }
0x20: {  	[sflag:s8] =	ssyncset.s32 @!p0 $0xFFFFF086;
	s6 =	sadd.s32 @!p0 s3, s7;
	s7 =	simm.s32 @!p0 $0x108  }
0x21: {  	s3 =	sadd.s32 s3, s9;
	s6 =	sadd.s32 @!p0 $0x88, s6;
	s7 =	simm.s32 @p2 $0x1082  }
0x22: {  	[simem:s7], [sflag:s8] =	dma.local @!p0 [hbm:s6], $0xF7A  }
0x23: {  	s9 =	sor.u32 $0xD0000000, s2;
	s6 =	simm.s32 $0x108;
	_ =	swait.ge @!p0 [sflag:s8], $0x0  }
0x24: {  	s3 =	sadd.s32 $0x88, s3;
	s6 =	simm.s32 @!p1 $0x1082;
	[sflag:s4] =	ssyncset.s32 $0xFFFFF086  }
0x25: {  	[simem:s6], [sflag:s4] =	dma.local [hbm:s3], $0xF7A  }
0x26: {  	[smem:$0x3F97] =	sst s1;
	(tag) =	ssettag s2;
	_ =	strace s9  }
0x27: {  	s1 =	sld [smem:$0x3FA7]  }
0x28: {  	s2 =	sld [smem:$0x3FA8]  }
0x29: {  	s4 =	sld [smem:$0x3FAA]  }
0x2a: {  	p0 =	seq.s32 s5, $0x0;
	s5 =	sld [smem:$0x3FAB]  }
0x2b: {  	s6 =	sld [smem:$0x3FAC]  }
0x2c: {  	s7 =	sld [smem:$0x3FAD]  }
0x2d: {  	s3 =	simm.s32 $0x108;
	s8 =	sld [smem:$0x3FAE]  }
0x2e: {  	s3 =	simm.s32 @!p0 $0x1082;
	s9 =	sld [smem:$0x3FAF]  }
0x2f: {  	lr =	sadd.s32 s0, s3;
	s0 =	sld [smem:$0x3FA6]  }
0x30: {  	s3 =	sld [smem:$0x3FA9]  }
0x31: {  	[smem:$0x3FB2] =	sst s10  }
0x32: {  	s10 =	sld [smem:$0x3FB0];
	_ =	sdelay $0x3  }
0x33: {  	p0 =	seq.s32 s10, $0x1;
	s10 =	sld [smem:$0x3FB2];
	_ =	sdelay $0x3  }
0x34: {  	[smem:$0x3FB2] =	sst s10  }
0x35: {  	s10 =	sld [smem:$0x3FB1];
	_ =	sdelay $0x3  }
0x36: {  	p1 =	seq.s32 s10, $0x1;
	s10 =	sld [smem:$0x3FB2];
	_ =	sdelay $0x3  }
0x37: {  	[smem:$0x3FB2] =	sst s10  }
0x38: {  	s10 =	sld [smem:$0x3FB3]  }
0x39: {  	_ = 	snop;
	(pc) =	sbr.ind lr, $3  }
0x3a: {  	_ = 	snop  }
0x3b: {  	_ = 	snop  }
0x3c: {  	p2 =	seq.s32 s10, $0x1;
	s10 =	sld [smem:$0x3FB2]  }
0x3d: {  	_ =	shalt  }
0x3e: {  	_ =	shalt  }
0x3f: {  	_ =	shalt  }
0x40: {  	_ =	shalt  }
0x41: {  	_ =	shalt  }
0x42: {  	_ =	shalt  }
0x43: {  	_ =	shalt  }
0x44: {  	_ =	shalt  }
0x45: {  	_ =	shalt  }
0x46: {  	_ =	shalt  }
0x47: {  	_ =	shalt  }
0x48: {  	_ =	shalt  }
0x49: {  	_ =	shalt  }
0x4a: {  	_ =	shalt  }
0x4b: {  	_ =	shalt  }
0x4c: {  	_ =	shalt  }
0x4d: {  	_ =	shalt  }
0x4e: {  	_ =	shalt  }
0x4f: {  	_ =	shalt  }
0x50: {  	_ =	shalt  }
0x51: {  	_ =	shalt  }
0x52: {  	_ =	shalt  }
0x53: {  	_ =	shalt  }
0x54: {  	_ =	shalt  }
0x55: {  	_ =	shalt  }
0x56: {  	_ =	shalt  }
0x57: {  	_ =	shalt  }
0x58: {  	_ =	shalt  }
0x59: {  	_ =	shalt  }
0x5a: {  	_ =	shalt  }
0x5b: {  	_ =	shalt  }
0x5c: {  	_ =	shalt  }
0x5d: {  	_ =	shalt  }
0x5e: {  	_ =	shalt  }
0x5f: {  	_ =	shalt  }
0x60: {  	_ =	shalt  }
0x61: {  	_ =	shalt  }
0x62: {  	_ =	shalt  }
0x63: {  	_ =	shalt  }
0x64: {  	_ =	shalt  }
0x65: {  	_ =	shalt  }
0x66: {  	_ =	shalt  }
0x67: {  	_ =	shalt  }
0x68: {  	_ =	shalt  }
0x69: {  	_ =	shalt  }
0x6a: {  	_ =	shalt  }
0x6b: {  	_ =	shalt  }
0x6c: {  	_ =	shalt  }
0x6d: {  	_ =	shalt  }
0x6e: {  	_ =	shalt  }
0x6f: {  	_ =	shalt  }
0x70: {  	_ =	shalt  }
0x71: {  	_ =	shalt  }
0x72: {  	_ =	shalt  }
0x73: {  	_ =	shalt  }
0x74: {  	_ =	shalt  }
0x75: {  	_ =	shalt  }
0x76: {  	_ =	shalt  }
0x77: {  	_ =	shalt  }
0x78: {  	_ =	shalt  }
0x79: {  	_ =	shalt  }
0x7a: {  	_ =	shalt  }
0x7b: {  	_ =	shalt  }
0x7c: {  	_ =	shalt  }
0x7d: {  	_ =	shalt  }
0x7e: {  	_ =	shalt  }
0x7f: {  	_ =	shalt  }
0x80: {  	_ =	shalt  }
0x81: {  	_ =	shalt  }
0x82: {  	_ =	shalt  }
0x83: {  	_ =	shalt  }
0x84: {  	_ =	shalt  }
0x85: {  	_ =	shalt  }
0x86: {  	_ =	shalt  }
0x87: {  	_ =	shalt  }
.Lfunc_end0:
.L_simem_size_0:
called_computation_lowered:
.L_overlay_start_0:
0x88: {  	s2 =	sld [smem:$0x3FD9]  }
0x89: {  	s3 =	sld [smem:$0x3FFE];
	_ =	sdelay $0x1  }
0x8a: {  	s1 =	srdreg.scid  }
0x8b: {  	s0 =	sand.u32 $0x1, s1  }
0x8c: {  	s16 =	sshll.u32 s0, $0xA;
	s2 =	sadd.s32 s3, s2  }
0x8d: {  	s2 =	sadd.s32 s2, s16  }
0x8e: {  	[smem:$0x3FBE] =	sst s2  }
0x8f: {  	_ = 	snop  }
0x90: {  	(tm) =	ssettm $0x1  }
0x91: {  	s17 =	sld [smem:$0x3FFB];
	_ =	sdelay $0x3  }
0x92: {  	_ =	strace s17  }
0x93: {  	s2 =	sld [smem:$0x3FFC];
	_ =	sdelay $0x3  }
0x94: {  	_ =	strace s2  }
0x95: {  	s2 =	sld [smem:$0x3FFD];
	_ =	sdelay $0x3  }
0x96: {  	_ =	strace s2  }
0x97: {  	_ =	strace $0x8FFFFFFF  }
0x98: {  	s18 =	sld [smem:$0x3FDB];
	_ =	sdelay $0x1  }
0x99: {  	s19 =	simm.s32 $_scs_section_size  }
0x9a: {  	s4 =	simm.s32 $_size__tile_overlayer_lowered;
	s5 =	simm.s32 $_tile_overlayer_lowered  }
0x9b: {  	s22 =	simm.s32 $0x1BFF;
	s21 =	sshll.u32 s5, $0x1;
	s2 =	sadd.s32 s19, s18  }
0x9c: {  	s6 =	simm.s32 $0x0;
	s20 =	sshll.u32 s4, $0x1;
	s4 =	sadd.s32 s21, s2  }
0x9d: {  	[timem:s6], [sflag:s22] =	dma.local [hbm:s4], s20  }
0x9e: {  	_ =	swait.ge [sflag:s22], s20  }
0x9f: {  	s3 =	ssub.s32 $0x0, s20;
	[sflag:s22] =	ssyncset.done $0x0  }
0xa0: {  	[sflag:s22] =	ssyncadd.s32 s3;
	_ =	sdelay $0x1  }
0xa1: {  	s23 =	simm.s32 $0x1B8B  }
0xa2: {  	_ =	swait.ge [sflag:s23], $0x1  }
0xa3: {  	[sflag:s23] =	ssyncset.done $0x0  }
0xa4: {  	s25 =	simm.s32 $0x1B8E;
	s24 =	sld [smem:$0x3FFE];
	[sflag:s23] =	ssyncadd.s32 $0xFFFFFFFF  }
0xa5: {  	s26 =	simm.s32 $execute0_lowered;
	[smem:$0x3FD2] =	sst s25  }
0xa6: {  	s4 =	sshll.u32 s26, $0x1;
	_ =	strace $0x80000046;
	[dreg:$0x1] =	wrdreg $0xFFFFFFFF  }
0xa7: {  	s28 =	simm.s32 $_size_execute0_lowered;
	s2 =	sadd.s32 s2, s4;
	[dreg:$0x0] =	wrdreg $0x0  }
0xa8: {  	s4 =	sshll.u32 s28, $0x1;
	[dreg:$0x2] =	wrdreg s2  }
0xa9: {  	[dreg:$0x3] =	wrdreg s4  }
0xaa: {  	[dreg:$0x4] =	wrdreg $0xC0  }
0xab: {  	_ =	task [dreg:s6], $0x5FFFF  }
0xac: {  	[dreg:$0x1] =	wrdreg $0xFFFFFFFF  }
0xad: {  	[dreg:$0x0] =	wrdreg $0x60  }
0xae: {  	[dreg:$0x2] =	wrdreg s24  }
0xaf: {  	[dreg:$0x3] =	wrdreg $0x9  }
0xb0: {  	_ =	task.clear_ibuf [dreg:s6], $0x4FFFF;
	_ =	strace $0x90000046  }
0xb1: {  	s29 =	simm.s32 $0x9;
	_ =	strace $0x80000048  }
0xb2: {  	_ =	swait.ge [sflag:s29], $0x1  }
0xb3: {  	[sflag:s29] =	ssyncadd.s32 $0xFFFFFFFF  }
0xb4: {  	_ =	strace $0x90000048  }
0xb5: {  	_ =	sfence  }
0xb6: {  	s30 =	sld [smem:$0x0];
	_ =	sdelay $0x2  }
0xb7: {  	s31 =	sshll.u32 s1, $0xD;
	s1 =	sshrl.u32 s1, $0x2  }
0xb8: {  	s3 =	sand.u32 $0x4000, s31;
	s1 =	sadd.s32 s1, s30  }
0xb9: {  	s0 =	sor.u32 s3, s0;
	s1 =	sshll.u32 s1, $0x11  }
0xba: {  	s0 =	sor.u32 s1, s0  }
0xbb: {  	s0 =	sadd.s32 $0x8F2B, s0  }
0xbc: {  	[sflag:s0] =	ssyncadd.remote.s32 $0x1  }
0xbd: {  	_ =	sfence.sel $0xFFFF  }
0xbe: {  	[dreg:$0x0] =	wrdreg $0xFFFFFFFF;
	(pc) =	sbr.abs _section_cstart, $3  }
0xbf: {  	[dreg:$0x1] =	wrdreg $0xFFFFFFFF  }
0xc0: {  	_ =	task.clear_ibuf [dreg:s6], $0x2FFFF;
	_ =	strace $0x9FFFFFFF  }
0xc1: {  	(tm) =	ssettm $0x7FFFFFFF  }
tec
execute0_lowered:
.L_overlay_start_1:
0x0: {  	(tag) =	ssettag $0x1  }
0x1: {  	s4 =	rddreg [dreg:$0x0]  }
0x2: {  	s0 =	rddreg [dreg:$0x1];
	s1 =	stileid.u32  }
0x3: {  	s2 =	simm.s32 $0x0;
	s3 =	srdreg.scid;
	s11 =	simm.s32 $0xBD0  }
0x4: {  	s12 =	simm.s32 $0x100;
	s13 =	simm.s32 $0x13A0;
	s14 =	simm.s32 $0x180  }
0x5: {  	s15 =	simm.s32 $0x1B70;
	s16 =	simm.s32 $0x200;
	s17 =	simm.s32 $0x2340  }
0x6: {  	s18 =	simm.s32 $0x280;
	s19 =	simm.s32 $0x2B10;
	s20 =	simm.s32 $0x300  }
0x7: {  	s21 =	simm.s32 $0x32E0;
	s22 =	simm.s32 $0x380;
	s23 =	simm.s32 $0x3AB0  }
0x8: {  	s24 =	simm.s32 $0x1;
	s25 =	simm.s32 $0x0;
	s5 =	smul.u32 $0x1900, s1  }
0x9: {  	[smem:$0x7FF] =	sst s2;
	s6 =	smul.u32 $0x186A0, s1;
	s7 =	sand.u32 $0x1, s3  }
0xa: {  	s3 =	sadd.s32 $0xE00, s4;
	s8 =	ssub.s32 $0x2, s7;
	s9 =	smul.u32 $0xC350, s7  }
0xb: {  	_ =	strace $0x80000047;
	s7 =	smul.u32 $0xC80, s7;
	s10 =	sshrl.u32 s8, $0x1  }
0xc: {  	s5 =	sadd.s32 s5, s4;
	s6 =	sadd.s32 s6, s4;
	s31 =	ssub.s32 s8, s10  }
0xd: {  	s6 =	sadd.s32 s9, s6;
	s7 =	sadd.s32 s7, s5;
	s8 =	simm.s32 $0x7D  }
0xe: {  	s9 =	simm.s32 $0x400;
	s10 =	simm.s32 $0x80;
	s4 =	smax.u32 s31, $0x1  }
0xf: {  	s5 =	sadd.s32 $0x32600, s6;
	s6 =	sadd.s32 $0x19600, s7;
	s7 =	simm.s32 $0x2  }
.LBB2_1:
0x10: {  	s26 =	sadd.s32 $0x0, s6  }
0x11: {  	[tilespmem:s2], [sflag:$0x2] =	stream.linear.gather [hbm4b:s26+s2], $0x400, $0x38;
	[tilespmem:$0x4280] =	vst v63  }
0x12: {  	_ =	swait.ge [sflag:s7], $0x400  }
0x13: {  	[sflag:s7] =	ssyncset.done $0x0  }
0x14: {  	[sflag:s7] =	ssyncadd.s32 $0xFFFFFC00  }
0x15: {  	[tilespmem:s9], [sflag:$0x1] =	stream.indirect.gather [hbm4b:s3+s8], $0x10, s2, s8, $0xb8;
	[tilespmem:$0x4280] =	vst v63  }
0x16: {  	_ = 	snop  }
0x17: {  	[tilespmem:s11], [sflag:$0x1] =	stream.indirect.gather [hbm4b:s3+s8], $0x10, s10, s8, $0xb8;
	[tilespmem:$0x4280] =	vst v63  }
0x18: {  	_ = 	snop  }
0x19: {  	[tilespmem:s13], [sflag:$0x1] =	stream.indirect.gather [hbm4b:s3+s8], $0x10, s12, s8, $0xb8;
	[tilespmem:$0x4280] =	vst v63  }
0x1a: {  	_ = 	snop  }
0x1b: {  	[tilespmem:s15], [sflag:$0x1] =	stream.indirect.gather [hbm4b:s3+s8], $0x10, s14, s8, $0xb8;
	[tilespmem:$0x4280] =	vst v63  }
0x1c: {  	_ = 	snop  }
0x1d: {  	[tilespmem:s17], [sflag:$0x1] =	stream.indirect.gather [hbm4b:s3+s8], $0x10, s16, s8, $0xb8;
	[tilespmem:$0x4280] =	vst v63  }
0x1e: {  	_ = 	snop  }
0x1f: {  	[tilespmem:s19], [sflag:$0x1] =	stream.indirect.gather [hbm4b:s3+s8], $0x10, s18, s8, $0xb8;
	[tilespmem:$0x4280] =	vst v63  }
0x20: {  	_ = 	snop  }
0x21: {  	[tilespmem:s21], [sflag:$0x1] =	stream.indirect.gather [hbm4b:s3+s8], $0x10, s20, s8, $0xb8;
	[tilespmem:$0x4280] =	vst v63  }
0x22: {  	_ = 	snop  }
0x23: {  	[tilespmem:s23], [sflag:$0x1] =	stream.indirect.gather [hbm4b:s3+s8], $0x10, s22, s8, $0xb8;
	[tilespmem:$0x4280] =	vst v63  }
0x24: {  	_ =	swait.ge [sflag:s24], $0x7D0  }
0x25: {  	[sflag:s24] =	ssyncset.done $0x0  }
0x26: {  	[sflag:s24] =	ssyncadd.s32 $0xFFFFF830  }
0x27: {  	_ =	swait.ge [sflag:s24], $0x7D0  }
0x28: {  	[sflag:s24] =	ssyncset.done $0x0  }
0x29: {  	[sflag:s24] =	ssyncadd.s32 $0xFFFFF830  }
0x2a: {  	_ =	swait.ge [sflag:s24], $0x7D0  }
0x2b: {  	[sflag:s24] =	ssyncset.done $0x0  }
0x2c: {  	[sflag:s24] =	ssyncadd.s32 $0xFFFFF830  }
0x2d: {  	_ =	swait.ge [sflag:s24], $0x7D0  }
0x2e: {  	[sflag:s24] =	ssyncset.done $0x0  }
0x2f: {  	[sflag:s24] =	ssyncadd.s32 $0xFFFFF830  }
0x30: {  	_ =	swait.ge [sflag:s24], $0x7D0  }
0x31: {  	[sflag:s24] =	ssyncset.done $0x0  }
0x32: {  	[sflag:s24] =	ssyncadd.s32 $0xFFFFF830  }
0x33: {  	_ =	swait.ge [sflag:s24], $0x7D0  }
0x34: {  	[sflag:s24] =	ssyncset.done $0x0  }
0x35: {  	[sflag:s24] =	ssyncadd.s32 $0xFFFFF830  }
0x36: {  	_ =	swait.ge [sflag:s24], $0x7D0  }
0x37: {  	[sflag:s24] =	ssyncset.done $0x0  }
0x38: {  	[sflag:s24] =	ssyncadd.s32 $0xFFFFF830  }
0x39: {  	_ =	swait.ge [sflag:s24], $0x7D0  }
0x3a: {  	[sflag:s24] =	ssyncset.done $0x0  }
0x3b: {  	[sflag:s24] =	ssyncadd.s32 $0xFFFFF830  }
0x3c: {  	[hbm4b:s5+s2] =	stream.linear.scatter [tilespmem:s9], [sflag:$0x2], $0x3E80, $0x38;
	[tilespmem:$0x4280] =	vst v63  }
0x3d: {  	s28 =	simm.s32 $0x80;
	_ =	swait.ge [sflag:s7], $0x3E80  }
0x3e: {  	s30 =	simm.s32 $0x100;
	s26 =	sadd.s32 $0x7D0, s5;
	[sflag:s7] =	ssyncset.done $0x0  }
.LBB2_2:
0x3f: {  	s31 =	sadd.s32 s28, s6  }
0x40: {  	[sflag:s7] =	ssyncadd.s32 $0xFFFFC180;
	s28 =	smov.u32 s30;
	s29 =	sadd.s32 $0x80, s30  }
0x41: {  	[tilespmem:s2], [sflag:$0x2] =	stream.linear.gather [hbm4b:s31+s2], $0x400, $0x38;
	[tilespmem:$0x4280] =	vst v63  }
0x42: {  	p0 =	sne.s32 s30, $0xC00;
	_ =	swait.ge [sflag:s7], $0x400  }
0x43: {  	[sflag:s7] =	ssyncset.done $0x0  }
0x44: {  	[sflag:s7] =	ssyncadd.s32 $0xFFFFFC00  }
0x45: {  	[tilespmem:s9], [sflag:$0x1] =	stream.indirect.gather [hbm4b:s3+s8], $0x10, s2, s8, $0xb8;
	[tilespmem:$0x4280] =	vst v63  }
0x46: {  	_ = 	snop  }
0x47: {  	[tilespmem:s11], [sflag:$0x1] =	stream.indirect.gather [hbm4b:s3+s8], $0x10, s10, s8, $0xb8;
	[tilespmem:$0x4280] =	vst v63  }
0x48: {  	_ = 	snop  }
0x49: {  	[tilespmem:s13], [sflag:$0x1] =	stream.indirect.gather [hbm4b:s3+s8], $0x10, s12, s8, $0xb8;
	[tilespmem:$0x4280] =	vst v63  }
0x4a: {  	_ = 	snop  }
0x4b: {  	[tilespmem:s15], [sflag:$0x1] =	stream.indirect.gather [hbm4b:s3+s8], $0x10, s14, s8, $0xb8;
	[tilespmem:$0x4280] =	vst v63  }
0x4c: {  	_ = 	snop  }
0x4d: {  	[tilespmem:s17], [sflag:$0x1] =	stream.indirect.gather [hbm4b:s3+s8], $0x10, s16, s8, $0xb8;
	[tilespmem:$0x4280] =	vst v63  }
0x4e: {  	_ = 	snop  }
0x4f: {  	[tilespmem:s19], [sflag:$0x1] =	stream.indirect.gather [hbm4b:s3+s8], $0x10, s18, s8, $0xb8;
	[tilespmem:$0x4280] =	vst v63  }
0x50: {  	_ = 	snop  }
0x51: {  	[tilespmem:s21], [sflag:$0x1] =	stream.indirect.gather [hbm4b:s3+s8], $0x10, s20, s8, $0xb8;
	[tilespmem:$0x4280] =	vst v63  }
0x52: {  	_ = 	snop  }
0x53: {  	[tilespmem:s23], [sflag:$0x1] =	stream.indirect.gather [hbm4b:s3+s8], $0x10, s22, s8, $0xb8;
	[tilespmem:$0x4280] =	vst v63  }
0x54: {  	_ =	swait.ge [sflag:s24], $0x7D0  }
0x55: {  	[sflag:s24] =	ssyncset.done $0x0  }
0x56: {  	[sflag:s24] =	ssyncadd.s32 $0xFFFFF830  }
0x57: {  	_ =	swait.ge [sflag:s24], $0x7D0  }
0x58: {  	[sflag:s24] =	ssyncset.done $0x0  }
0x59: {  	[sflag:s24] =	ssyncadd.s32 $0xFFFFF830  }
0x5a: {  	_ =	swait.ge [sflag:s24], $0x7D0  }
0x5b: {  	[sflag:s24] =	ssyncset.done $0x0  }
0x5c: {  	[sflag:s24] =	ssyncadd.s32 $0xFFFFF830  }
0x5d: {  	_ =	swait.ge [sflag:s24], $0x7D0  }
0x5e: {  	[sflag:s24] =	ssyncset.done $0x0  }
0x5f: {  	[sflag:s24] =	ssyncadd.s32 $0xFFFFF830  }
0x60: {  	_ =	swait.ge [sflag:s24], $0x7D0  }
0x61: {  	[sflag:s24] =	ssyncset.done $0x0  }
0x62: {  	[sflag:s24] =	ssyncadd.s32 $0xFFFFF830  }
0x63: {  	_ =	swait.ge [sflag:s24], $0x7D0  }
0x64: {  	[sflag:s24] =	ssyncset.done $0x0  }
0x65: {  	[sflag:s24] =	ssyncadd.s32 $0xFFFFF830  }
0x66: {  	_ =	swait.ge [sflag:s24], $0x7D0  }
0x67: {  	[sflag:s24] =	ssyncset.done $0x0  }
0x68: {  	[sflag:s24] =	ssyncadd.s32 $0xFFFFF830  }
0x69: {  	_ =	swait.ge [sflag:s24], $0x7D0  }
.Ltmp0:
0x6a: {  	[sflag:s24] =	ssyncset.done $0x0;
	(pc) =	sbr.rel @p0 .LBB2_2-.Ltmp0, $4  }
0x6b: {  	[sflag:s24] =	ssyncadd.s32 $0xFFFFF830  }
0x6c: {  	[hbm4b:s26+s2] =	stream.linear.scatter [tilespmem:s9], [sflag:$0x2], $0x3E80, $0x38;
	[tilespmem:$0x4280] =	vst v63  }
0x6d: {  	_ =	swait.ge [sflag:s7], $0x3E80  }
0x6e: {  	s30 =	smov.u32 s29;
	s26 =	sadd.s32 $0x7D0, s26;
	[sflag:s7] =	ssyncset.done $0x0  }
0x6f: {  	s28 =	sadd.s32 s28, s6;
	[sflag:s7] =	ssyncadd.s32 $0xFFFFC180  }
0x70: {  	[tilespmem:s2], [sflag:$0x2] =	stream.linear.gather [hbm4b:s28+s2], $0x400, $0x38;
	[tilespmem:$0x4280] =	vst v63  }
0x71: {  	_ =	swait.ge [sflag:s7], $0x400  }
0x72: {  	[sflag:s7] =	ssyncset.done $0x0  }
0x73: {  	[sflag:s7] =	ssyncadd.s32 $0xFFFFFC00  }
0x74: {  	[tilespmem:s9], [sflag:$0x1] =	stream.indirect.gather [hbm4b:s3+s8], $0x10, s2, s8, $0xb8;
	[tilespmem:$0x4280] =	vst v63  }
0x75: {  	_ = 	snop  }
0x76: {  	[tilespmem:s11], [sflag:$0x1] =	stream.indirect.gather [hbm4b:s3+s8], $0x10, s10, s8, $0xb8;
	[tilespmem:$0x4280] =	vst v63  }
0x77: {  	_ = 	snop  }
0x78: {  	[tilespmem:s13], [sflag:$0x1] =	stream.indirect.gather [hbm4b:s3+s8], $0x10, s12, s8, $0xb8;
	[tilespmem:$0x4280] =	vst v63  }
0x79: {  	_ = 	snop  }
0x7a: {  	[tilespmem:s15], [sflag:$0x1] =	stream.indirect.gather [hbm4b:s3+s8], $0x10, s14, s8, $0xb8;
	[tilespmem:$0x4280] =	vst v63  }
0x7b: {  	_ = 	snop  }
0x7c: {  	[tilespmem:s17], [sflag:$0x1] =	stream.indirect.gather [hbm4b:s3+s8], $0x10, s16, s8, $0xb8;
	[tilespmem:$0x4280] =	vst v63  }
0x7d: {  	_ = 	snop  }
0x7e: {  	[tilespmem:s19], [sflag:$0x1] =	stream.indirect.gather [hbm4b:s3+s8], $0x10, s18, s8, $0xb8;
	[tilespmem:$0x4280] =	vst v63  }
0x7f: {  	_ = 	snop  }
0x80: {  	[tilespmem:s21], [sflag:$0x1] =	stream.indirect.gather [hbm4b:s3+s8], $0x10, s20, s8, $0xb8;
	[tilespmem:$0x4280] =	vst v63  }
0x81: {  	_ = 	snop  }
0x82: {  	[tilespmem:s23], [sflag:$0x1] =	stream.indirect.gather [hbm4b:s3+s8], $0x10, s22, s8, $0xb8;
	[tilespmem:$0x4280] =	vst v63  }
0x83: {  	_ =	swait.ge [sflag:s24], $0x7D0  }
0x84: {  	[sflag:s24] =	ssyncset.done $0x0  }
0x85: {  	[sflag:s24] =	ssyncadd.s32 $0xFFFFF830  }
0x86: {  	_ =	swait.ge [sflag:s24], $0x7D0  }
0x87: {  	[sflag:s24] =	ssyncset.done $0x0  }
0x88: {  	[sflag:s24] =	ssyncadd.s32 $0xFFFFF830  }
0x89: {  	_ =	swait.ge [sflag:s24], $0x7D0  }
0x8a: {  	[sflag:s24] =	ssyncset.done $0x0  }
0x8b: {  	[sflag:s24] =	ssyncadd.s32 $0xFFFFF830  }
0x8c: {  	_ =	swait.ge [sflag:s24], $0x7D0  }
0x8d: {  	[sflag:s24] =	ssyncset.done $0x0  }
0x8e: {  	[sflag:s24] =	ssyncadd.s32 $0xFFFFF830  }
0x8f: {  	_ =	swait.ge [sflag:s24], $0x7D0  }
0x90: {  	[sflag:s24] =	ssyncset.done $0x0  }
0x91: {  	[sflag:s24] =	ssyncadd.s32 $0xFFFFF830  }
0x92: {  	_ =	swait.ge [sflag:s24], $0x7D0  }
0x93: {  	[sflag:s24] =	ssyncset.done $0x0  }
0x94: {  	[sflag:s24] =	ssyncadd.s32 $0xFFFFF830  }
0x95: {  	_ =	swait.ge [sflag:s24], $0x7D0  }
0x96: {  	[sflag:s24] =	ssyncset.done $0x0  }
0x97: {  	[sflag:s24] =	ssyncadd.s32 $0xFFFFF830  }
0x98: {  	s25 =	sadd.s32 $0x1, s25;
	_ =	swait.ge [sflag:s24], $0x7D0  }
0x99: {  	p0 =	sne.s32 s25, s4;
	[sflag:s24] =	ssyncset.done $0x0  }
.Ltmp1:
0x9a: {  	[sflag:s24] =	ssyncadd.s32 $0xFFFFF830;
	(pc) =	sbr.rel @p0 .LBB2_1-.Ltmp1, $4  }
0x9b: {  	[hbm4b:s26+s2] =	stream.linear.scatter [tilespmem:s9], [sflag:$0x2], $0x3E80, $0x38;
	[tilespmem:$0x4280] =	vst v63  }
0x9c: {  	_ =	swait.ge [sflag:s7], $0x3E80  }
0x9d: {  	[sflag:s7] =	ssyncset.done $0x0  }
0x9e: {  	[sflag:s7] =	ssyncadd.s32 $0xFFFFC180  }
0x9f: {  	_ =	sfence.sel $0x180000  }
0xa0: {  	[bflag:$0x0] =	sbarrier.arrive $0xFFFF  }
0xa1: {  	p0 =	sne.s32 s1, $0x0;
	_ =	strace $0x90000047  }
0xa2: {  	s0 =	sadd.s32 @!p0 $0x100000, s0;
	[bflag:$0x2] =	sbarrier.arrive $0xFFFF  }
0xa3: {  	[sflag:s0] =	ssyncadd.tile.s32 @!p0 $0x1;
	_ =	shalt  }
.Lfunc_end2:
_tile_overlayer_lowered:
.L_overlay_start_2:
0xa4: {  	(tag) =	ssettag $0x2  }
0xa5: {  	s0 =	rddreg [dreg:$0x0];
	s2 =	stileid.u32  }
0xa6: {  	s1 =	rddreg [dreg:$0x1];
	p0 =	sne.s32 s2, $0x0  }
0xa7: {  	s3 =	rddreg [dreg:$0x2];
	[bflag:$0x3] =	sbarrier.arrive $0xFFFF;
	s2 =	simm.s32 @!p0 $0x1C02  }
0xa8: {  	[timem:s3], [sflag:s2] =	dma.local @!p0 [hbm:s0], s1  }
0xa9: {  	s0 =	simm.s32 @!p0 $0x2  }
0xaa: {  	_ =	swait.ge @!p0 [sflag:s0], s1  }
0xab: {  	s1 =	ssub.s32 @!p0 $0x0, s1;
	[sflag:s0] =	ssyncset.done @!p0 $0x0  }
0xac: {  	[sflag:s0] =	ssyncadd.s32 @!p0 s1  }
0xad: {  	[bflag:$0x3] =	sbarrier.arrive $0xFFFF  }
0xae: {  	_ =	shalt  }

</sc_bundles>
